<compile_context>
chip_gen: v7x
topology: tpu7x:2x2x1
jax: 0.10.2.dev20260603
libtpu: 0.0.44.dev20260713+nightly
codegen_flags: <defaults>
</compile_context>

<pallas_src>
import functools

import jax
import jax.numpy as jnp
from jax import lax
from jax.experimental import pallas as pl
from jax.experimental.pallas import tpu as pltpu
from jax.experimental.pallas import tpu_sc as plsc

N_P = 120000
N_V = 80000
NC = 2
NS = 16
NW = NC * NS
ROW = 8
CHUNK = 128
K = 30
PTS_PER_TILE = K * CHUNK
PTS_PAD = NW * PTS_PER_TILE
R = 81920
TW = R * ROW
SLABW = TW // NS
ZB = 5120
F1 = 96
FE = 16 * F1
PACK = TW // 128


@functools.cache
def _build_sc_scatter():
    mesh = plsc.VectorSubcoreMesh(
        core_axis_name="c", subcore_axis_name="s", num_cores=NC, num_subcores=NS
    )

    @functools.partial(
        pl.kernel,
        out_type=jax.ShapeDtypeStruct((NC * TW,), jnp.float32),
        mesh=mesh,
        compiler_params=pltpu.CompilerParams(
            use_tc_tiling_on_sc=False, needs_layout_passes=False),
        scratch_types=[
            pltpu.VMEM((5, PTS_PER_TILE), jnp.float32),
            pltpu.VMEM((PTS_PER_TILE,), jnp.int32),
            pltpu.VMEM((2, 5, CHUNK), jnp.int32),
            pltpu.VMEM((ZB,), jnp.float32),
            pltpu.VMEM_SHARED((TW,), jnp.float32),
        ],
    )
    def sc_scatter(xs, ys, zs, ws, idx_flat, out_hbm,
                   col_v, idx_v, sidx_v, zb_v, table_sh):
        c = lax.axis_index("c")
        s = lax.axis_index("s")
        wid = c * NS + s
        zeros16 = jnp.zeros((16,), jnp.float32)
        ones16 = jnp.ones((16,), jnp.float32)

        def scoped(sems, sem_stage, sem_zero):
            stage = [
                pltpu.async_copy(
                    [xs, ys, zs, ws][k].at[pl.ds(wid * PTS_PER_TILE,
                                                 PTS_PER_TILE)],
                    col_v.at[k], sem_stage)
                for k in range(4)
            ]
            stage.append(pltpu.async_copy(
                idx_flat.at[pl.ds(wid * PTS_PER_TILE, PTS_PER_TILE)],
                idx_v, sem_stage))

            def zfill(i, carry):
                zb_v[pl.ds(i * 16, 16)] = zeros16
                return carry

            lax.fori_loop(0, ZB // 16, zfill, 0)

            def ofill(i, carry):
                col_v[4, pl.ds(i * 16, 16)] = ones16
                return carry

            lax.fori_loop(0, PTS_PER_TILE // 16, ofill, 0)

            zcopies = [
                pltpu.async_copy(
                    zb_v, table_sh.at[pl.ds(s * SLABW + t * ZB, ZB)], sem_zero)
                for t in range(SLABW // ZB)
            ]
            for cp in zcopies:
                cp.wait()
            for cp in stage:
                cp.wait()
            plsc.subcore_barrier()

            def fire(j, b):
                for i in range(CHUNK // 16):
                    v = idx_v[pl.ds(j * CHUNK + i * 16, 16)]
                    base = v << 3
                    for k in range(5):
                        sidx_v[b, k, pl.ds(i * 16, 16)] = base + k
                for k in range(5):
                    pltpu.async_copy(
                        col_v.at[k, pl.ds(j * CHUNK, CHUNK)],
                        table_sh.at[sidx_v.at[b, k]],
                        sems.at[b, k], add=True)

            def drain(j, b):
                for k in range(5):
                    pltpu.make_async_copy(
                        col_v.at[k, pl.ds(j * CHUNK, CHUNK)],
                        table_sh.at[sidx_v.at[b, k]],
                        sems.at[b, k]).wait()

            def body(j, carry):
                @pl.when(j < K)
                def _f():
                    fire(j, lax.rem(j, 2))

                @pl.when(j > 0)
                def _d():
                    drain(j - 1, lax.rem(j - 1, 2))

                return carry

            lax.fori_loop(0, K + 1, body, 0)

        pl.run_scoped(
            scoped,
            sems=pltpu.SemaphoreType.DMA((2, 5)),
            sem_stage=pltpu.SemaphoreType.DMA,
            sem_zero=pltpu.SemaphoreType.DMA,
        )
        plsc.subcore_barrier()
        pltpu.sync_copy(table_sh.at[pl.ds(s * SLABW, SLABW)],
                        out_hbm.at[pl.ds(c * TW + s * SLABW, SLABW)])

    return sc_scatter


BR = 1024
NVROW = N_V * ROW // 128


def _dense_body(t_ref, w1e_ref, b1t_ref, wp_ref, bp_ref, o_ref, acc_ref):
    i = pl.program_id(0)

    @pl.when(i == 0)
    def _init():
        acc_ref[...] = jnp.zeros_like(acc_ref)

    x = t_ref[0] + t_ref[1]
    li = lax.broadcasted_iota(jnp.int32, (128, 128), 0)
    lo = lax.broadcasted_iota(jnp.int32, (128, 128), 1)
    p = ((li == 8 * (lo // 8) + 4)).astype(jnp.float32)
    cntb = jnp.dot(x, p, preferred_element_type=jnp.float32)
    m = x / jnp.maximum(cntb, 1.0)
    z = jnp.dot(m.astype(jnp.bfloat16), w1e_ref[...],
                preferred_element_type=jnp.float32)
    z = jnp.maximum(z + b1t_ref[...], 0.0)
    row = i * BR + lax.broadcasted_iota(jnp.int32, (BR, 1), 0)
    z = jnp.where(row < NVROW, z, 0.0)
    acc_ref[...] += z.reshape(BR // 8, 8, FE).sum(axis=0)

    @pl.when(i == pl.num_programs(0) - 1)
    def _fin():
        hsum = acc_ref[...].sum(axis=0, keepdims=True)
        fr = lax.broadcasted_iota(jnp.int32, (FE, F1), 0)
        fc = lax.broadcasted_iota(jnp.int32, (FE, F1), 1)
        fold = (fr % F1 == fc).astype(jnp.float32)
        h96 = jnp.dot(hsum, fold, preferred_element_type=jnp.float32)
        o_ref[...] = (
            jnp.dot(h96, wp_ref[...], preferred_element_type=jnp.float32)
            * (1.0 / N_V) + bp_ref[...]
        )


def _dense(table, w1e, b1t, wp, bp):
    return pl.pallas_call(
        _dense_body,
        grid=(PACK // BR,),
        in_specs=[
            pl.BlockSpec((NC, BR, 128), lambda i: (0, i, 0)),
            pl.BlockSpec((128, FE), lambda i: (0, 0)),
            pl.BlockSpec((1, FE), lambda i: (0, 0)),
            pl.BlockSpec((F1, 384), lambda i: (0, 0)),
            pl.BlockSpec((1, 384), lambda i: (0, 0)),
        ],
        out_specs=pl.BlockSpec((1, 384), lambda i: (0, 0)),
        out_shape=jax.ShapeDtypeStruct((1, 384), jnp.float32),
        scratch_shapes=[pltpu.VMEM((8, FE), jnp.float32)],
    )(table, w1e, b1t, wp, bp)


def kernel(points, voxel_ids, W1, b1, Wp, bp):
    f32 = jnp.float32
    ptsT = jnp.pad(points.astype(f32).T, ((0, 0), (0, PTS_PAD - N_P)))
    cols = [ptsT[k] for k in range(4)]
    pad_idx = N_V + (jnp.arange(PTS_PAD - N_P, dtype=jnp.int32) % (R - N_V))
    idx_flat = jnp.concatenate([voxel_ids.astype(jnp.int32), pad_idx])

    flat = _build_sc_scatter()(cols[0], cols[1], cols[2], cols[3], idx_flat)
    packed = flat.reshape(NC, PACK, 128)

    w1p = jnp.concatenate([W1.astype(f32), jnp.zeros((4, F1), f32)], axis=0)
    w1e = jnp.einsum("gt,kj->gktj", jnp.eye(16, dtype=f32), w1p).reshape(
        128, FE).astype(jnp.bfloat16)
    b1t = jnp.tile(b1.astype(f32).reshape(1, F1), (1, 16))

    out = _dense(packed, w1e, b1t, Wp.astype(f32),
                 bp.astype(f32).reshape(1, 384))
    return out.reshape(384)

# --- scband reference (transcript-rebuilt; emitter-appended) ---
"""Pipeline reference for scband-lidar-encoder-mink-unet-8349416423965 (READ-ONLY COPY).

The authoritative reference and input builder live on the scoring server;
editing this copy changes nothing except your own understanding.
"""

import jax, jax.numpy as jnp
import numpy as np

N_POINTS = 120000
N_VOXELS = 80000
FEAT_IN = 4
FEAT_MID = 96
EMBED_DIM = 384


def setup_inputs(seed: int = 0) -> dict:
    key = jax.random.key(seed)
    k1, k2, k3, k4 = jax.random.split(key, 4)
    points = jax.random.normal(k1, (N_POINTS, FEAT_IN), dtype=jnp.float32)
    voxel_ids = jax.random.randint(k2, (N_POINTS,), 0, N_VOXELS, dtype=jnp.int32)
    # Learned params: feature extractor (stand-in for MinkUNet 96-dim output) + projection head
    W1 = jax.random.normal(k3, (FEAT_IN, FEAT_MID), dtype=jnp.float32) * 0.05
    b1 = jnp.zeros((FEAT_MID,), dtype=jnp.float32)
    Wp = jax.random.normal(k4, (FEAT_MID, EMBED_DIM), dtype=jnp.float32) * 0.05
    bp = jnp.zeros((EMBED_DIM,), dtype=jnp.float32)
    return {"points": points, "voxel_ids": voxel_ids, "W1": W1, "b1": b1, "Wp": Wp, "bp": bp}


def reference(points, voxel_ids, W1, b1, Wp, bp):
    # Voxelization via scatter-mean: average point features per voxel (SparseCore scatter-add)
    sums = jax.ops.segment_sum(points, voxel_ids, num_segments=N_VOXELS)
    counts = jax.ops.segment_sum(jnp.ones((points.shape[0],), dtype=points.dtype), voxel_ids, num_segments=N_VOXELS)
    voxel_feats = sums / jnp.maximum(counts, 1.0)[:, None]
    # Sparse backbone feature extraction -> 96-dim per-voxel features
    h = jax.nn.relu(voxel_feats @ W1 + b1)
    # projection = nn.Linear(96, embed_dim)
    projected = h @ Wp + bp
    # embeddings = projected_features.mean(dim=0)
    embeddings = projected.mean(axis=0)
    return embeddings

if __name__ == "__main__":
    import jax
    _d = setup_inputs()
    print(jax.jit(kernel)(*tuple(_d.values())))

</pallas_src>

<mosaic_0001>
#map = affine_map<(d0, d1) -> (0)>
module attributes {stable_mosaic.version = 14 : i64} {
  func.func @sc_scatter(%arg0: i32, %arg1: i32, %arg2: memref<122880xf32, #tpu.memory_space<hbm>>, %arg3: memref<122880xf32, #tpu.memory_space<hbm>>, %arg4: memref<122880xf32, #tpu.memory_space<hbm>>, %arg5: memref<122880xf32, #tpu.memory_space<hbm>>, %arg6: memref<122880xi32, #tpu.memory_space<hbm>>, %arg7: memref<1310720xf32, #tpu.memory_space<hbm>>, %arg8: memref<5x3840xf32, #tpu.memory_space<vmem>>, %arg9: memref<3840xi32, #tpu.memory_space<vmem>>, %arg10: memref<2x5x128xi32, #tpu.memory_space<vmem>>, %arg11: memref<5120xf32, #tpu.memory_space<vmem>>, %arg12: memref<655360xf32, #tpu.memory_space<vmem_shared>>) attributes {dimension_semantics = [#tpu.dimension_semantics<core_parallel>, #tpu.dimension_semantics<subcore_parallel>], iteration_bounds = array<i64: 2, 16>, scalar_prefetch = 0 : i64, scratch_operands = 5 : i64, tpu.core_type = #tpu.core_type<sc_vector_subcore>, window_params = [{transform_indices = #map}, {transform_indices = #map}, {transform_indices = #map}, {transform_indices = #map}, {transform_indices = #map}, {transform_indices = #map}]} {
    %mul3A = arith.constant 16 : i32
    %mul3A_0 = arith.muli %arg0, %mul3A : i32
    %add3A = arith.addi %mul3A_0, %arg1 : i32
    %broadcast_in_dim3A = arith.constant 0.000000e+00 : f32
    %broadcast_in_dim3A_1 = vector.broadcast %broadcast_in_dim3A : f32 to vector<16xf32>
    %broadcast_in_dim3A_2 = arith.constant 1.000000e+00 : f32
    %broadcast_in_dim3A_3 = vector.broadcast %broadcast_in_dim3A_2 : f32 to vector<16xf32>
    "tpu.region"() ({
      %run_scoped3A = tpu.sem_alloc : memref<!tpu.dma_semaphore, #tpu.memory_space<semaphore_mem>>
      %run_scoped3A_11 = tpu.sem_alloc : memref<!tpu.dma_semaphore, #tpu.memory_space<semaphore_mem>>
      %run_scoped3A_12 = tpu.sem_alloc : memref<2x5x!tpu.dma_semaphore, #tpu.memory_space<semaphore_mem>>
      %mul3A_13 = arith.constant 3840 : i32
      %mul3A_14 = arith.muli %add3A, %mul3A_13 : i32
      %dma_start3A = arith.constant 0 : i32
      %dma_start3A_15 = arith.constant 0 : i32
      %dma_start3A_16 = tpu.memref_slice %arg8[%dma_start3A, %dma_start3A_15] : memref<5x3840xf32, #tpu.memory_space<vmem>> -> memref<1x3840xf32, #tpu.memory_space<vmem>>
      %dma_start3A_17 = tpu.memref_squeeze %dma_start3A_16 : memref<1x3840xf32, #tpu.memory_space<vmem>> -> memref<3840xf32, #tpu.memory_space<vmem>>
      %dma_start3A_18 = tpu.memref_slice %arg2[%mul3A_14] : memref<122880xf32, #tpu.memory_space<hbm>> -> memref<3840xf32, #tpu.memory_space<hbm>>
      %dma_start3A_19 = arith.constant 0 : i32
      %dma_start3A_20 = tpu.memref_slice %arg8[%dma_start3A, %dma_start3A_19] : memref<5x3840xf32, #tpu.memory_space<vmem>> -> memref<1x3840xf32, #tpu.memory_space<vmem>>
      %dma_start3A_21 = tpu.memref_squeeze %dma_start3A_20 : memref<1x3840xf32, #tpu.memory_space<vmem>> -> memref<3840xf32, #tpu.memory_space<vmem>>
      %dma_start3A_22 = tpu.memref_slice %arg2[%mul3A_14] : memref<122880xf32, #tpu.memory_space<hbm>> -> memref<3840xf32, #tpu.memory_space<hbm>>
      tpu.enqueue_dma source(%dma_start3A_22 : memref<3840xf32, #tpu.memory_space<hbm>>) target(%dma_start3A_21 : memref<3840xf32, #tpu.memory_space<vmem>>) target_semaphore(%run_scoped3A : memref<!tpu.dma_semaphore, #tpu.memory_space<semaphore_mem>>)
      %mul3A_23 = arith.constant 3840 : i32
      %mul3A_24 = arith.muli %add3A, %mul3A_23 : i32
      %dma_start3A_25 = arith.constant 1 : i32
      %dma_start3A_26 = arith.constant 0 : i32
      %dma_start3A_27 = tpu.memref_slice %arg8[%dma_start3A_25, %dma_start3A_26] : memref<5x3840xf32, #tpu.memory_space<vmem>> -> memref<1x3840xf32, #tpu.memory_space<vmem>>
      %dma_start3A_28 = tpu.memref_squeeze %dma_start3A_27 : memref<1x3840xf32, #tpu.memory_space<vmem>> -> memref<3840xf32, #tpu.memory_space<vmem>>
      %dma_start3A_29 = tpu.memref_slice %arg3[%mul3A_24] : memref<122880xf32, #tpu.memory_space<hbm>> -> memref<3840xf32, #tpu.memory_space<hbm>>
      %dma_start3A_30 = arith.constant 0 : i32
      %dma_start3A_31 = tpu.memref_slice %arg8[%dma_start3A_25, %dma_start3A_30] : memref<5x3840xf32, #tpu.memory_space<vmem>> -> memref<1x3840xf32, #tpu.memory_space<vmem>>
      %dma_start3A_32 = tpu.memref_squeeze %dma_start3A_31 : memref<1x3840xf32, #tpu.memory_space<vmem>> -> memref<3840xf32, #tpu.memory_space<vmem>>
      %dma_start3A_33 = tpu.memref_slice %arg3[%mul3A_24] : memref<122880xf32, #tpu.memory_space<hbm>> -> memref<3840xf32, #tpu.memory_space<hbm>>
      tpu.enqueue_dma source(%dma_start3A_33 : memref<3840xf32, #tpu.memory_space<hbm>>) target(%dma_start3A_32 : memref<3840xf32, #tpu.memory_space<vmem>>) target_semaphore(%run_scoped3A : memref<!tpu.dma_semaphore, #tpu.memory_space<semaphore_mem>>)
      %mul3A_34 = arith.constant 3840 : i32
      %mul3A_35 = arith.muli %add3A, %mul3A_34 : i32
      %dma_start3A_36 = arith.constant 2 : i32
      %dma_start3A_37 = arith.constant 0 : i32
      %dma_start3A_38 = tpu.memref_slice %arg8[%dma_start3A_36, %dma_start3A_37] : memref<5x3840xf32, #tpu.memory_space<vmem>> -> memref<1x3840xf32, #tpu.memory_space<vmem>>
      %dma_start3A_39 = tpu.memref_squeeze %dma_start3A_38 : memref<1x3840xf32, #tpu.memory_space<vmem>> -> memref<3840xf32, #tpu.memory_space<vmem>>
      %dma_start3A_40 = tpu.memref_slice %arg4[%mul3A_35] : memref<122880xf32, #tpu.memory_space<hbm>> -> memref<3840xf32, #tpu.memory_space<hbm>>
      %dma_start3A_41 = arith.constant 0 : i32
      %dma_start3A_42 = tpu.memref_slice %arg8[%dma_start3A_36, %dma_start3A_41] : memref<5x3840xf32, #tpu.memory_space<vmem>> -> memref<1x3840xf32, #tpu.memory_space<vmem>>
      %dma_start3A_43 = tpu.memref_squeeze %dma_start3A_42 : memref<1x3840xf32, #tpu.memory_space<vmem>> -> memref<3840xf32, #tpu.memory_space<vmem>>
      %dma_start3A_44 = tpu.memref_slice %arg4[%mul3A_35] : memref<122880xf32, #tpu.memory_space<hbm>> -> memref<3840xf32, #tpu.memory_space<hbm>>
      tpu.enqueue_dma source(%dma_start3A_44 : memref<3840xf32, #tpu.memory_space<hbm>>) target(%dma_start3A_43 : memref<3840xf32, #tpu.memory_space<vmem>>) target_semaphore(%run_scoped3A : memref<!tpu.dma_semaphore, #tpu.memory_space<semaphore_mem>>)
      %mul3A_45 = arith.constant 3840 : i32
      %mul3A_46 = arith.muli %add3A, %mul3A_45 : i32
      %dma_start3A_47 = arith.constant 3 : i32
      %dma_start3A_48 = arith.constant 0 : i32
      %dma_start3A_49 = tpu.memref_slice %arg8[%dma_start3A_47, %dma_start3A_48] : memref<5x3840xf32, #tpu.memory_space<vmem>> -> memref<1x3840xf32, #tpu.memory_space<vmem>>
      %dma_start3A_50 = tpu.memref_squeeze %dma_start3A_49 : memref<1x3840xf32, #tpu.memory_space<vmem>> -> memref<3840xf32, #tpu.memory_space<vmem>>
      %dma_start3A_51 = tpu.memref_slice %arg5[%mul3A_46] : memref<122880xf32, #tpu.memory_space<hbm>> -> memref<3840xf32, #tpu.memory_space<hbm>>
      %dma_start3A_52 = arith.constant 0 : i32
      %dma_start3A_53 = tpu.memref_slice %arg8[%dma_start3A_47, %dma_start3A_52] : memref<5x3840xf32, #tpu.memory_space<vmem>> -> memref<1x3840xf32, #tpu.memory_space<vmem>>
      %dma_start3A_54 = tpu.memref_squeeze %dma_start3A_53 : memref<1x3840xf32, #tpu.memory_space<vmem>> -> memref<3840xf32, #tpu.memory_space<vmem>>
      %dma_start3A_55 = tpu.memref_slice %arg5[%mul3A_46] : memref<122880xf32, #tpu.memory_space<hbm>> -> memref<3840xf32, #tpu.memory_space<hbm>>
      tpu.enqueue_dma source(%dma_start3A_55 : memref<3840xf32, #tpu.memory_space<hbm>>) target(%dma_start3A_54 : memref<3840xf32, #tpu.memory_space<vmem>>) target_semaphore(%run_scoped3A : memref<!tpu.dma_semaphore, #tpu.memory_space<semaphore_mem>>)
      %mul3A_56 = arith.constant 3840 : i32
      %mul3A_57 = arith.muli %add3A, %mul3A_56 : i32
      %dma_start3A_58 = tpu.memref_slice %arg6[%mul3A_57] : memref<122880xi32, #tpu.memory_space<hbm>> -> memref<3840xi32, #tpu.memory_space<hbm>>
      %dma_start3A_59 = tpu.memref_slice %arg6[%mul3A_57] : memref<122880xi32, #tpu.memory_space<hbm>> -> memref<3840xi32, #tpu.memory_space<hbm>>
      tpu.enqueue_dma source(%dma_start3A_59 : memref<3840xi32, #tpu.memory_space<hbm>>) target(%arg9 : memref<3840xi32, #tpu.memory_space<vmem>>) target_semaphore(%run_scoped3A : memref<!tpu.dma_semaphore, #tpu.memory_space<semaphore_mem>>)
      %scan3A = arith.constant 0 : i32
      %scan3A_60 = arith.constant 0 : i32
      %scan3A_61 = arith.constant 320 : i32
      %scan3A_62 = arith.addi %scan3A_60, %scan3A_61 : i32
      %scan3A_63 = arith.constant 1 : i32
      scf.for %scan3A_179 = %scan3A_60 to %scan3A_62 step %scan3A_63  : i32 {
        %mul3A_180 = arith.constant 16 : i32
        %mul3A_181 = arith.muli %scan3A_179, %mul3A_180 : i32
        %swap3A = arith.index_cast %mul3A_181 : i32 to index
        %swap3A_182 = tpu.vector_load %arg11[%swap3A] {strides = array<i32>} : memref<5120xf32, #tpu.memory_space<vmem>>, vector<16xf32>,
        tpu.vector_store %arg11[%swap3A], %broadcast_in_dim3A_1 {strides = array<i32>} : memref<5120xf32, #tpu.memory_space<vmem>>, vector<16xf32>,
      }
      %scan3A_64 = arith.constant 320 : i32
      %scan3A_65 = arith.constant 0 : i32
      %scan3A_66 = arith.constant 0 : i32
      %scan3A_67 = arith.constant 240 : i32
      %scan3A_68 = arith.addi %scan3A_66, %scan3A_67 : i32
      %scan3A_69 = arith.constant 1 : i32
      scf.for %scan3A_179 = %scan3A_66 to %scan3A_68 step %scan3A_69  : i32 {
        %mul3A_180 = arith.constant 16 : i32
        %mul3A_181 = arith.muli %scan3A_179, %mul3A_180 : i32
        %swap3A = arith.constant 4 : i32
        %swap3A_182 = arith.index_cast %swap3A : i32 to index
        %swap3A_183 = arith.index_cast %mul3A_181 : i32 to index
        %swap3A_184 = tpu.vector_load %arg8[%swap3A_182, %swap3A_183] {strides = array<i32>} : memref<5x3840xf32, #tpu.memory_space<vmem>>, vector<16xf32>,
        tpu.vector_store %arg8[%swap3A_182, %swap3A_183], %broadcast_in_dim3A_3 {strides = array<i32>} : memref<5x3840xf32, #tpu.memory_space<vmem>>, vector<16xf32>,
      }
      %scan3A_70 = arith.constant 240 : i32
      %mul3A_71 = arith.constant 40960 : i32
      %mul3A_72 = arith.muli %arg1, %mul3A_71 : i32
      %add3A_73 = arith.constant 0 : i32
      %add3A_74 = arith.addi %mul3A_72, %add3A_73 : i32
      %dma_start3A_75 = tpu.memref_slice %arg12[%add3A_74] : memref<655360xf32, #tpu.memory_space<vmem_shared>> -> memref<5120xf32, #tpu.memory_space<vmem_shared>>
      %dma_start3A_76 = tpu.memref_slice %arg12[%add3A_74] : memref<655360xf32, #tpu.memory_space<vmem_shared>> -> memref<5120xf32, #tpu.memory_space<vmem_shared>>
      tpu.enqueue_dma source(%arg11 : memref<5120xf32, #tpu.memory_space<vmem>>) target(%dma_start3A_76 : memref<5120xf32, #tpu.memory_space<vmem_shared>>) target_semaphore(%run_scoped3A_11 : memref<!tpu.dma_semaphore, #tpu.memory_space<semaphore_mem>>)
      %mul3A_77 = arith.constant 40960 : i32
      %mul3A_78 = arith.muli %arg1, %mul3A_77 : i32
      %add3A_79 = arith.constant 5120 : i32
      %add3A_80 = arith.addi %mul3A_78, %add3A_79 : i32
      %dma_start3A_81 = tpu.memref_slice %arg12[%add3A_80] : memref<655360xf32, #tpu.memory_space<vmem_shared>> -> memref<5120xf32, #tpu.memory_space<vmem_shared>>
      %dma_start3A_82 = tpu.memref_slice %arg12[%add3A_80] : memref<655360xf32, #tpu.memory_space<vmem_shared>> -> memref<5120xf32, #tpu.memory_space<vmem_shared>>
      tpu.enqueue_dma source(%arg11 : memref<5120xf32, #tpu.memory_space<vmem>>) target(%dma_start3A_82 : memref<5120xf32, #tpu.memory_space<vmem_shared>>) target_semaphore(%run_scoped3A_11 : memref<!tpu.dma_semaphore, #tpu.memory_space<semaphore_mem>>)
      %mul3A_83 = arith.constant 40960 : i32
      %mul3A_84 = arith.muli %arg1, %mul3A_83 : i32
      %add3A_85 = arith.constant 10240 : i32
      %add3A_86 = arith.addi %mul3A_84, %add3A_85 : i32
      %dma_start3A_87 = tpu.memref_slice %arg12[%add3A_86] : memref<655360xf32, #tpu.memory_space<vmem_shared>> -> memref<5120xf32, #tpu.memory_space<vmem_shared>>
      %dma_start3A_88 = tpu.memref_slice %arg12[%add3A_86] : memref<655360xf32, #tpu.memory_space<vmem_shared>> -> memref<5120xf32, #tpu.memory_space<vmem_shared>>
      tpu.enqueue_dma source(%arg11 : memref<5120xf32, #tpu.memory_space<vmem>>) target(%dma_start3A_88 : memref<5120xf32, #tpu.memory_space<vmem_shared>>) target_semaphore(%run_scoped3A_11 : memref<!tpu.dma_semaphore, #tpu.memory_space<semaphore_mem>>)
      %mul3A_89 = arith.constant 40960 : i32
      %mul3A_90 = arith.muli %arg1, %mul3A_89 : i32
      %add3A_91 = arith.constant 15360 : i32
      %add3A_92 = arith.addi %mul3A_90, %add3A_91 : i32
      %dma_start3A_93 = tpu.memref_slice %arg12[%add3A_92] : memref<655360xf32, #tpu.memory_space<vmem_shared>> -> memref<5120xf32, #tpu.memory_space<vmem_shared>>
      %dma_start3A_94 = tpu.memref_slice %arg12[%add3A_92] : memref<655360xf32, #tpu.memory_space<vmem_shared>> -> memref<5120xf32, #tpu.memory_space<vmem_shared>>
      tpu.enqueue_dma source(%arg11 : memref<5120xf32, #tpu.memory_space<vmem>>) target(%dma_start3A_94 : memref<5120xf32, #tpu.memory_space<vmem_shared>>) target_semaphore(%run_scoped3A_11 : memref<!tpu.dma_semaphore, #tpu.memory_space<semaphore_mem>>)
      %mul3A_95 = arith.constant 40960 : i32
      %mul3A_96 = arith.muli %arg1, %mul3A_95 : i32
      %add3A_97 = arith.constant 20480 : i32
      %add3A_98 = arith.addi %mul3A_96, %add3A_97 : i32
      %dma_start3A_99 = tpu.memref_slice %arg12[%add3A_98] : memref<655360xf32, #tpu.memory_space<vmem_shared>> -> memref<5120xf32, #tpu.memory_space<vmem_shared>>
      %dma_start3A_100 = tpu.memref_slice %arg12[%add3A_98] : memref<655360xf32, #tpu.memory_space<vmem_shared>> -> memref<5120xf32, #tpu.memory_space<vmem_shared>>
      tpu.enqueue_dma source(%arg11 : memref<5120xf32, #tpu.memory_space<vmem>>) target(%dma_start3A_100 : memref<5120xf32, #tpu.memory_space<vmem_shared>>) target_semaphore(%run_scoped3A_11 : memref<!tpu.dma_semaphore, #tpu.memory_space<semaphore_mem>>)
      %mul3A_101 = arith.constant 40960 : i32
      %mul3A_102 = arith.muli %arg1, %mul3A_101 : i32
      %add3A_103 = arith.constant 25600 : i32
      %add3A_104 = arith.addi %mul3A_102, %add3A_103 : i32
      %dma_start3A_105 = tpu.memref_slice %arg12[%add3A_104] : memref<655360xf32, #tpu.memory_space<vmem_shared>> -> memref<5120xf32, #tpu.memory_space<vmem_shared>>
      %dma_start3A_106 = tpu.memref_slice %arg12[%add3A_104] : memref<655360xf32, #tpu.memory_space<vmem_shared>> -> memref<5120xf32, #tpu.memory_space<vmem_shared>>
      tpu.enqueue_dma source(%arg11 : memref<5120xf32, #tpu.memory_space<vmem>>) target(%dma_start3A_106 : memref<5120xf32, #tpu.memory_space<vmem_shared>>) target_semaphore(%run_scoped3A_11 : memref<!tpu.dma_semaphore, #tpu.memory_space<semaphore_mem>>)
      %mul3A_107 = arith.constant 40960 : i32
      %mul3A_108 = arith.muli %arg1, %mul3A_107 : i32
      %add3A_109 = arith.constant 30720 : i32
      %add3A_110 = arith.addi %mul3A_108, %add3A_109 : i32
      %dma_start3A_111 = tpu.memref_slice %arg12[%add3A_110] : memref<655360xf32, #tpu.memory_space<vmem_shared>> -> memref<5120xf32, #tpu.memory_space<vmem_shared>>
      %dma_start3A_112 = tpu.memref_slice %arg12[%add3A_110] : memref<655360xf32, #tpu.memory_space<vmem_shared>> -> memref<5120xf32, #tpu.memory_space<vmem_shared>>
      tpu.enqueue_dma source(%arg11 : memref<5120xf32, #tpu.memory_space<vmem>>) target(%dma_start3A_112 : memref<5120xf32, #tpu.memory_space<vmem_shared>>) target_semaphore(%run_scoped3A_11 : memref<!tpu.dma_semaphore, #tpu.memory_space<semaphore_mem>>)
      %mul3A_113 = arith.constant 40960 : i32
      %mul3A_114 = arith.muli %arg1, %mul3A_113 : i32
      %add3A_115 = arith.constant 35840 : i32
      %add3A_116 = arith.addi %mul3A_114, %add3A_115 : i32
      %dma_start3A_117 = tpu.memref_slice %arg12[%add3A_116] : memref<655360xf32, #tpu.memory_space<vmem_shared>> -> memref<5120xf32, #tpu.memory_space<vmem_shared>>
      %dma_start3A_118 = tpu.memref_slice %arg12[%add3A_116] : memref<655360xf32, #tpu.memory_space<vmem_shared>> -> memref<5120xf32, #tpu.memory_space<vmem_shared>>
      tpu.enqueue_dma source(%arg11 : memref<5120xf32, #tpu.memory_space<vmem>>) target(%dma_start3A_118 : memref<5120xf32, #tpu.memory_space<vmem_shared>>) target_semaphore(%run_scoped3A_11 : memref<!tpu.dma_semaphore, #tpu.memory_space<semaphore_mem>>)
      %dma_wait3A = tpu.memref_slice %arg12[%add3A_74] : memref<655360xf32, #tpu.memory_space<vmem_shared>> -> memref<5120xf32, #tpu.memory_space<vmem_shared>>
      %dma_wait3A_119 = tpu.memref_slice %arg12[%add3A_74] : memref<655360xf32, #tpu.memory_space<vmem_shared>> -> memref<5120xf32, #tpu.memory_space<vmem_shared>>
      tpu.wait_dma2 semaphore(%run_scoped3A_11 : memref<!tpu.dma_semaphore, #tpu.memory_space<semaphore_mem>>) src(%arg11 : memref<5120xf32, #tpu.memory_space<vmem>>) dst(%dma_wait3A_119 : memref<5120xf32, #tpu.memory_space<vmem_shared>>)
      %dma_wait3A_120 = tpu.memref_slice %arg12[%add3A_80] : memref<655360xf32, #tpu.memory_space<vmem_shared>> -> memref<5120xf32, #tpu.memory_space<vmem_shared>>
      %dma_wait3A_121 = tpu.memref_slice %arg12[%add3A_80] : memref<655360xf32, #tpu.memory_space<vmem_shared>> -> memref<5120xf32, #tpu.memory_space<vmem_shared>>
      tpu.wait_dma2 semaphore(%run_scoped3A_11 : memref<!tpu.dma_semaphore, #tpu.memory_space<semaphore_mem>>) src(%arg11 : memref<5120xf32, #tpu.memory_space<vmem>>) dst(%dma_wait3A_121 : memref<5120xf32, #tpu.memory_space<vmem_shared>>)
      %dma_wait3A_122 = tpu.memref_slice %arg12[%add3A_86] : memref<655360xf32, #tpu.memory_space<vmem_shared>> -> memref<5120xf32, #tpu.memory_space<vmem_shared>>
      %dma_wait3A_123 = tpu.memref_slice %arg12[%add3A_86] : memref<655360xf32, #tpu.memory_space<vmem_shared>> -> memref<5120xf32, #tpu.memory_space<vmem_shared>>
      tpu.wait_dma2 semaphore(%run_scoped3A_11 : memref<!tpu.dma_semaphore, #tpu.memory_space<semaphore_mem>>) src(%arg11 : memref<5120xf32, #tpu.memory_space<vmem>>) dst(%dma_wait3A_123 : memref<5120xf32, #tpu.memory_space<vmem_shared>>)
      %dma_wait3A_124 = tpu.memref_slice %arg12[%add3A_92] : memref<655360xf32, #tpu.memory_space<vmem_shared>> -> memref<5120xf32, #tpu.memory_space<vmem_shared>>
      %dma_wait3A_125 = tpu.memref_slice %arg12[%add3A_92] : memref<655360xf32, #tpu.memory_space<vmem_shared>> -> memref<5120xf32, #tpu.memory_space<vmem_shared>>
      tpu.wait_dma2 semaphore(%run_scoped3A_11 : memref<!tpu.dma_semaphore, #tpu.memory_space<semaphore_mem>>) src(%arg11 : memref<5120xf32, #tpu.memory_space<vmem>>) dst(%dma_wait3A_125 : memref<5120xf32, #tpu.memory_space<vmem_shared>>)
      %dma_wait3A_126 = tpu.memref_slice %arg12[%add3A_98] : memref<655360xf32, #tpu.memory_space<vmem_shared>> -> memref<5120xf32, #tpu.memory_space<vmem_shared>>
      %dma_wait3A_127 = tpu.memref_slice %arg12[%add3A_98] : memref<655360xf32, #tpu.memory_space<vmem_shared>> -> memref<5120xf32, #tpu.memory_space<vmem_shared>>
      tpu.wait_dma2 semaphore(%run_scoped3A_11 : memref<!tpu.dma_semaphore, #tpu.memory_space<semaphore_mem>>) src(%arg11 : memref<5120xf32, #tpu.memory_space<vmem>>) dst(%dma_wait3A_127 : memref<5120xf32, #tpu.memory_space<vmem_shared>>)
      %dma_wait3A_128 = tpu.memref_slice %arg12[%add3A_104] : memref<655360xf32, #tpu.memory_space<vmem_shared>> -> memref<5120xf32, #tpu.memory_space<vmem_shared>>
      %dma_wait3A_129 = tpu.memref_slice %arg12[%add3A_104] : memref<655360xf32, #tpu.memory_space<vmem_shared>> -> memref<5120xf32, #tpu.memory_space<vmem_shared>>
      tpu.wait_dma2 semaphore(%run_scoped3A_11 : memref<!tpu.dma_semaphore, #tpu.memory_space<semaphore_mem>>) src(%arg11 : memref<5120xf32, #tpu.memory_space<vmem>>) dst(%dma_wait3A_129 : memref<5120xf32, #tpu.memory_space<vmem_shared>>)
      %dma_wait3A_130 = tpu.memref_slice %arg12[%add3A_110] : memref<655360xf32, #tpu.memory_space<vmem_shared>> -> memref<5120xf32, #tpu.memory_space<vmem_shared>>
      %dma_wait3A_131 = tpu.memref_slice %arg12[%add3A_110] : memref<655360xf32, #tpu.memory_space<vmem_shared>> -> memref<5120xf32, #tpu.memory_space<vmem_shared>>
      tpu.wait_dma2 semaphore(%run_scoped3A_11 : memref<!tpu.dma_semaphore, #tpu.memory_space<semaphore_mem>>) src(%arg11 : memref<5120xf32, #tpu.memory_space<vmem>>) dst(%dma_wait3A_131 : memref<5120xf32, #tpu.memory_space<vmem_shared>>)
      %dma_wait3A_132 = tpu.memref_slice %arg12[%add3A_116] : memref<655360xf32, #tpu.memory_space<vmem_shared>> -> memref<5120xf32, #tpu.memory_space<vmem_shared>>
      %dma_wait3A_133 = tpu.memref_slice %arg12[%add3A_116] : memref<655360xf32, #tpu.memory_space<vmem_shared>> -> memref<5120xf32, #tpu.memory_space<vmem_shared>>
      tpu.wait_dma2 semaphore(%run_scoped3A_11 : memref<!tpu.dma_semaphore, #tpu.memory_space<semaphore_mem>>) src(%arg11 : memref<5120xf32, #tpu.memory_space<vmem>>) dst(%dma_wait3A_133 : memref<5120xf32, #tpu.memory_space<vmem_shared>>)
      %dma_wait3A_134 = arith.constant 0 : i32
      %dma_wait3A_135 = arith.constant 0 : i32
      %dma_wait3A_136 = tpu.memref_slice %arg8[%dma_wait3A_134, %dma_wait3A_135] : memref<5x3840xf32, #tpu.memory_space<vmem>> -> memref<1x3840xf32, #tpu.memory_space<vmem>>
      %dma_wait3A_137 = tpu.memref_squeeze %dma_wait3A_136 : memref<1x3840xf32, #tpu.memory_space<vmem>> -> memref<3840xf32, #tpu.memory_space<vmem>>
      %dma_wait3A_138 = tpu.memref_slice %arg2[%mul3A_14] : memref<122880xf32, #tpu.memory_space<hbm>> -> memref<3840xf32, #tpu.memory_space<hbm>>
      %dma_wait3A_139 = arith.constant 0 : i32
      %dma_wait3A_140 = tpu.memref_slice %arg8[%dma_wait3A_134, %dma_wait3A_139] : memref<5x3840xf32, #tpu.memory_space<vmem>> -> memref<1x3840xf32, #tpu.memory_space<vmem>>
      %dma_wait3A_141 = tpu.memref_squeeze %dma_wait3A_140 : memref<1x3840xf32, #tpu.memory_space<vmem>> -> memref<3840xf32, #tpu.memory_space<vmem>>
      %dma_wait3A_142 = tpu.memref_slice %arg2[%mul3A_14] : memref<122880xf32, #tpu.memory_space<hbm>> -> memref<3840xf32, #tpu.memory_space<hbm>>
      tpu.wait_dma2 semaphore(%run_scoped3A : memref<!tpu.dma_semaphore, #tpu.memory_space<semaphore_mem>>) src(%dma_wait3A_142 : memref<3840xf32, #tpu.memory_space<hbm>>) dst(%dma_wait3A_141 : memref<3840xf32, #tpu.memory_space<vmem>>)
      %dma_wait3A_143 = arith.constant 1 : i32
      %dma_wait3A_144 = arith.constant 0 : i32
      %dma_wait3A_145 = tpu.memref_slice %arg8[%dma_wait3A_143, %dma_wait3A_144] : memref<5x3840xf32, #tpu.memory_space<vmem>> -> memref<1x3840xf32, #tpu.memory_space<vmem>>
      %dma_wait3A_146 = tpu.memref_squeeze %dma_wait3A_145 : memref<1x3840xf32, #tpu.memory_space<vmem>> -> memref<3840xf32, #tpu.memory_space<vmem>>
      %dma_wait3A_147 = tpu.memref_slice %arg3[%mul3A_24] : memref<122880xf32, #tpu.memory_space<hbm>> -> memref<3840xf32, #tpu.memory_space<hbm>>
      %dma_wait3A_148 = arith.constant 0 : i32
      %dma_wait3A_149 = tpu.memref_slice %arg8[%dma_wait3A_143, %dma_wait3A_148] : memref<5x3840xf32, #tpu.memory_space<vmem>> -> memref<1x3840xf32, #tpu.memory_space<vmem>>
      %dma_wait3A_150 = tpu.memref_squeeze %dma_wait3A_149 : memref<1x3840xf32, #tpu.memory_space<vmem>> -> memref<3840xf32, #tpu.memory_space<vmem>>
      %dma_wait3A_151 = tpu.memref_slice %arg3[%mul3A_24] : memref<122880xf32, #tpu.memory_space<hbm>> -> memref<3840xf32, #tpu.memory_space<hbm>>
      tpu.wait_dma2 semaphore(%run_scoped3A : memref<!tpu.dma_semaphore, #tpu.memory_space<semaphore_mem>>) src(%dma_wait3A_151 : memref<3840xf32, #tpu.memory_space<hbm>>) dst(%dma_wait3A_150 : memref<3840xf32, #tpu.memory_space<vmem>>)
      %dma_wait3A_152 = arith.constant 2 : i32
      %dma_wait3A_153 = arith.constant 0 : i32
      %dma_wait3A_154 = tpu.memref_slice %arg8[%dma_wait3A_152, %dma_wait3A_153] : memref<5x3840xf32, #tpu.memory_space<vmem>> -> memref<1x3840xf32, #tpu.memory_space<vmem>>
      %dma_wait3A_155 = tpu.memref_squeeze %dma_wait3A_154 : memref<1x3840xf32, #tpu.memory_space<vmem>> -> memref<3840xf32, #tpu.memory_space<vmem>>
      %dma_wait3A_156 = tpu.memref_slice %arg4[%mul3A_35] : memref<122880xf32, #tpu.memory_space<hbm>> -> memref<3840xf32, #tpu.memory_space<hbm>>
      %dma_wait3A_157 = arith.constant 0 : i32
      %dma_wait3A_158 = tpu.memref_slice %arg8[%dma_wait3A_152, %dma_wait3A_157] : memref<5x3840xf32, #tpu.memory_space<vmem>> -> memref<1x3840xf32, #tpu.memory_space<vmem>>
      %dma_wait3A_159 = tpu.memref_squeeze %dma_wait3A_158 : memref<1x3840xf32, #tpu.memory_space<vmem>> -> memref<3840xf32, #tpu.memory_space<vmem>>
      %dma_wait3A_160 = tpu.memref_slice %arg4[%mul3A_35] : memref<122880xf32, #tpu.memory_space<hbm>> -> memref<3840xf32, #tpu.memory_space<hbm>>
      tpu.wait_dma2 semaphore(%run_scoped3A : memref<!tpu.dma_semaphore, #tpu.memory_space<semaphore_mem>>) src(%dma_wait3A_160 : memref<3840xf32, #tpu.memory_space<hbm>>) dst(%dma_wait3A_159 : memref<3840xf32, #tpu.memory_space<vmem>>)
      %dma_wait3A_161 = arith.constant 3 : i32
      %dma_wait3A_162 = arith.constant 0 : i32
      %dma_wait3A_163 = tpu.memref_slice %arg8[%dma_wait3A_161, %dma_wait3A_162] : memref<5x3840xf32, #tpu.memory_space<vmem>> -> memref<1x3840xf32, #tpu.memory_space<vmem>>
      %dma_wait3A_164 = tpu.memref_squeeze %dma_wait3A_163 : memref<1x3840xf32, #tpu.memory_space<vmem>> -> memref<3840xf32, #tpu.memory_space<vmem>>
      %dma_wait3A_165 = tpu.memref_slice %arg5[%mul3A_46] : memref<122880xf32, #tpu.memory_space<hbm>> -> memref<3840xf32, #tpu.memory_space<hbm>>
      %dma_wait3A_166 = arith.constant 0 : i32
      %dma_wait3A_167 = tpu.memref_slice %arg8[%dma_wait3A_161, %dma_wait3A_166] : memref<5x3840xf32, #tpu.memory_space<vmem>> -> memref<1x3840xf32, #tpu.memory_space<vmem>>
      %dma_wait3A_168 = tpu.memref_squeeze %dma_wait3A_167 : memref<1x3840xf32, #tpu.memory_space<vmem>> -> memref<3840xf32, #tpu.memory_space<vmem>>
      %dma_wait3A_169 = tpu.memref_slice %arg5[%mul3A_46] : memref<122880xf32, #tpu.memory_space<hbm>> -> memref<3840xf32, #tpu.memory_space<hbm>>
      tpu.wait_dma2 semaphore(%run_scoped3A : memref<!tpu.dma_semaphore, #tpu.memory_space<semaphore_mem>>) src(%dma_wait3A_169 : memref<3840xf32, #tpu.memory_space<hbm>>) dst(%dma_wait3A_168 : memref<3840xf32, #tpu.memory_space<vmem>>)
      %dma_wait3A_170 = tpu.memref_slice %arg6[%mul3A_57] : memref<122880xi32, #tpu.memory_space<hbm>> -> memref<3840xi32, #tpu.memory_space<hbm>>
      %dma_wait3A_171 = tpu.memref_slice %arg6[%mul3A_57] : memref<122880xi32, #tpu.memory_space<hbm>> -> memref<3840xi32, #tpu.memory_space<hbm>>
      tpu.wait_dma2 semaphore(%run_scoped3A : memref<!tpu.dma_semaphore, #tpu.memory_space<semaphore_mem>>) src(%dma_wait3A_171 : memref<3840xi32, #tpu.memory_space<hbm>>) dst(%arg9 : memref<3840xi32, #tpu.memory_space<vmem>>)
      %barrier3A_172 = arith.constant 0 : index
      tpu.barrier barrier_id(%barrier3A_172)
      %scan3A_173 = arith.constant 0 : i32
      %scan3A_174 = arith.constant 0 : i32
      %scan3A_175 = arith.constant 31 : i32
      %scan3A_176 = arith.addi %scan3A_174, %scan3A_175 : i32
      %scan3A_177 = arith.constant 1 : i32
      scf.for %scan3A_179 = %scan3A_174 to %scan3A_176 step %scan3A_177  : i32 {
        %lt3A = arith.constant 30 : i32
        %lt3A_180 = arith.cmpi slt, %scan3A_179, %lt3A : i32
        %convert_element_type3A = arith.extui %lt3A_180 : i1 to i32
        %cond3A = arith.constant 0 : i32
        %cond3A_181 = arith.cmpi ne, %convert_element_type3A, %cond3A : i32
        scf.if %cond3A_181 {
          %rem3A = arith.constant 2 : i32
          %rem3A_186 = arith.remsi %scan3A_179, %rem3A : i32
          %mul3A_187 = arith.constant 128 : i32
          %mul3A_188 = arith.muli %scan3A_179, %mul3A_187 : i32
          %add3A_189 = arith.constant 0 : i32
          %add3A_190 = arith.addi %mul3A_188, %add3A_189 : i32
          %get3A = arith.index_cast %add3A_190 : i32 to index
          %get3A_191 = tpu.vector_load %arg9[%get3A] {strides = array<i32>} : memref<3840xi32, #tpu.memory_space<vmem>>, vector<16xi32>,
          %shift_left3A = arith.constant 3 : i32
          %shift_left3A_192 = vector.broadcast %shift_left3A : i32 to vector<16xi32>
          %shift_left3A_193 = arith.shli %get3A_191, %shift_left3A_192 : vector<16xi32>
          %add3A_194 = arith.constant 0 : i32
          %add3A_195 = vector.broadcast %add3A_194 : i32 to vector<16xi32>
          %add3A_196 = arith.addi %shift_left3A_193, %add3A_195 : vector<16xi32>
          %swap3A = arith.constant 0 : i32
          %swap3A_197 = arith.index_cast %rem3A_186 : i32 to index
          %swap3A_198 = arith.index_cast %swap3A : i32 to index
          %swap3A_199 = arith.constant 0 : index
          %swap3A_200 = tpu.vector_load %arg10[%swap3A_197, %swap3A_198, %swap3A_199] {strides = array<i32>} : memref<2x5x128xi32, #tpu.memory_space<vmem>>, vector<16xi32>,
          tpu.vector_store %arg10[%swap3A_197, %swap3A_198, %swap3A_199], %add3A_196 {strides = array<i32>} : memref<2x5x128xi32, #tpu.memory_space<vmem>>, vector<16xi32>,
          %add3A_201 = arith.constant 1 : i32
          %add3A_202 = vector.broadcast %add3A_201 : i32 to vector<16xi32>
          %add3A_203 = arith.addi %shift_left3A_193, %add3A_202 : vector<16xi32>
          %swap3A_204 = arith.constant 1 : i32
          %swap3A_205 = arith.index_cast %rem3A_186 : i32 to index
          %swap3A_206 = arith.index_cast %swap3A_204 : i32 to index
          %swap3A_207 = arith.constant 0 : index
          %swap3A_208 = tpu.vector_load %arg10[%swap3A_205, %swap3A_206, %swap3A_207] {strides = array<i32>} : memref<2x5x128xi32, #tpu.memory_space<vmem>>, vector<16xi32>,
          tpu.vector_store %arg10[%swap3A_205, %swap3A_206, %swap3A_207], %add3A_203 {strides = array<i32>} : memref<2x5x128xi32, #tpu.memory_space<vmem>>, vector<16xi32>,
          %add3A_209 = arith.constant 2 : i32
          %add3A_210 = vector.broadcast %add3A_209 : i32 to vector<16xi32>
          %add3A_211 = arith.addi %shift_left3A_193, %add3A_210 : vector<16xi32>
          %swap3A_212 = arith.constant 2 : i32
          %swap3A_213 = arith.index_cast %rem3A_186 : i32 to index
          %swap3A_214 = arith.index_cast %swap3A_212 : i32 to index
          %swap3A_215 = arith.constant 0 : index
          %swap3A_216 = tpu.vector_load %arg10[%swap3A_213, %swap3A_214, %swap3A_215] {strides = array<i32>} : memref<2x5x128xi32, #tpu.memory_space<vmem>>, vector<16xi32>,
          tpu.vector_store %arg10[%swap3A_213, %swap3A_214, %swap3A_215], %add3A_211 {strides = array<i32>} : memref<2x5x128xi32, #tpu.memory_space<vmem>>, vector<16xi32>,
          %add3A_217 = arith.constant 3 : i32
          %add3A_218 = vector.broadcast %add3A_217 : i32 to vector<16xi32>
          %add3A_219 = arith.addi %shift_left3A_193, %add3A_218 : vector<16xi32>
          %swap3A_220 = arith.constant 3 : i32
          %swap3A_221 = arith.index_cast %rem3A_186 : i32 to index
          %swap3A_222 = arith.index_cast %swap3A_220 : i32 to index
          %swap3A_223 = arith.constant 0 : index
          %swap3A_224 = tpu.vector_load %arg10[%swap3A_221, %swap3A_222, %swap3A_223] {strides = array<i32>} : memref<2x5x128xi32, #tpu.memory_space<vmem>>, vector<16xi32>,
          tpu.vector_store %arg10[%swap3A_221, %swap3A_222, %swap3A_223], %add3A_219 {strides = array<i32>} : memref<2x5x128xi32, #tpu.memory_space<vmem>>, vector<16xi32>,
          %add3A_225 = arith.constant 4 : i32
          %add3A_226 = vector.broadcast %add3A_225 : i32 to vector<16xi32>
          %add3A_227 = arith.addi %shift_left3A_193, %add3A_226 : vector<16xi32>
          %swap3A_228 = arith.constant 4 : i32
          %swap3A_229 = arith.index_cast %rem3A_186 : i32 to index
          %swap3A_230 = arith.index_cast %swap3A_228 : i32 to index
          %swap3A_231 = arith.constant 0 : index
          %swap3A_232 = tpu.vector_load %arg10[%swap3A_229, %swap3A_230, %swap3A_231] {strides = array<i32>} : memref<2x5x128xi32, #tpu.memory_space<vmem>>, vector<16xi32>,
          tpu.vector_store %arg10[%swap3A_229, %swap3A_230, %swap3A_231], %add3A_227 {strides = array<i32>} : memref<2x5x128xi32, #tpu.memory_space<vmem>>, vector<16xi32>,
          %mul3A_233 = arith.constant 128 : i32
          %mul3A_234 = arith.muli %scan3A_179, %mul3A_233 : i32
          %add3A_235 = arith.constant 16 : i32
          %add3A_236 = arith.addi %mul3A_234, %add3A_235 : i32
          %get3A_237 = arith.index_cast %add3A_236 : i32 to index
          %get3A_238 = tpu.vector_load %arg9[%get3A_237] {strides = array<i32>} : memref<3840xi32, #tpu.memory_space<vmem>>, vector<16xi32>,
          %shift_left3A_239 = arith.constant 3 : i32
          %shift_left3A_240 = vector.broadcast %shift_left3A_239 : i32 to vector<16xi32>
          %shift_left3A_241 = arith.shli %get3A_238, %shift_left3A_240 : vector<16xi32>
          %add3A_242 = arith.constant 0 : i32
          %add3A_243 = vector.broadcast %add3A_242 : i32 to vector<16xi32>
          %add3A_244 = arith.addi %shift_left3A_241, %add3A_243 : vector<16xi32>
          %swap3A_245 = arith.constant 0 : i32
          %swap3A_246 = arith.index_cast %rem3A_186 : i32 to index
          %swap3A_247 = arith.index_cast %swap3A_245 : i32 to index
          %swap3A_248 = arith.constant 16 : index
          %swap3A_249 = tpu.vector_load %arg10[%swap3A_246, %swap3A_247, %swap3A_248] {strides = array<i32>} : memref<2x5x128xi32, #tpu.memory_space<vmem>>, vector<16xi32>,
          tpu.vector_store %arg10[%swap3A_246, %swap3A_247, %swap3A_248], %add3A_244 {strides = array<i32>} : memref<2x5x128xi32, #tpu.memory_space<vmem>>, vector<16xi32>,
          %add3A_250 = arith.constant 1 : i32
          %add3A_251 = vector.broadcast %add3A_250 : i32 to vector<16xi32>
          %add3A_252 = arith.addi %shift_left3A_241, %add3A_251 : vector<16xi32>
          %swap3A_253 = arith.constant 1 : i32
          %swap3A_254 = arith.index_cast %rem3A_186 : i32 to index
          %swap3A_255 = arith.index_cast %swap3A_253 : i32 to index
          %swap3A_256 = arith.constant 16 : index
          %swap3A_257 = tpu.vector_load %arg10[%swap3A_254, %swap3A_255, %swap3A_256] {strides = array<i32>} : memref<2x5x128xi32, #tpu.memory_space<vmem>>, vector<16xi32>,
          tpu.vector_store %arg10[%swap3A_254, %swap3A_255, %swap3A_256], %add3A_252 {strides = array<i32>} : memref<2x5x128xi32, #tpu.memory_space<vmem>>, vector<16xi32>,
          %add3A_258 = arith.constant 2 : i32
          %add3A_259 = vector.broadcast %add3A_258 : i32 to vector<16xi32>
          %add3A_260 = arith.addi %shift_left3A_241, %add3A_259 : vector<16xi32>
          %swap3A_261 = arith.constant 2 : i32
          %swap3A_262 = arith.index_cast %rem3A_186 : i32 to index
          %swap3A_263 = arith.index_cast %swap3A_261 : i32 to index
          %swap3A_264 = arith.constant 16 : index
          %swap3A_265 = tpu.vector_load %arg10[%swap3A_262, %swap3A_263, %swap3A_264] {strides = array<i32>} : memref<2x5x128xi32, #tpu.memory_space<vmem>>, vector<16xi32>,
          tpu.vector_store %arg10[%swap3A_262, %swap3A_263, %swap3A_264], %add3A_260 {strides = array<i32>} : memref<2x5x128xi32, #tpu.memory_space<vmem>>, vector<16xi32>,
          %add3A_266 = arith.constant 3 : i32
          %add3A_267 = vector.broadcast %add3A_266 : i32 to vector<16xi32>
          %add3A_268 = arith.addi %shift_left3A_241, %add3A_267 : vector<16xi32>
          %swap3A_269 = arith.constant 3 : i32
          %swap3A_270 = arith.index_cast %rem3A_186 : i32 to index
          %swap3A_271 = arith.index_cast %swap3A_269 : i32 to index
          %swap3A_272 = arith.constant 16 : index
          %swap3A_273 = tpu.vector_load %arg10[%swap3A_270, %swap3A_271, %swap3A_272] {strides = array<i32>} : memref<2x5x128xi32, #tpu.memory_space<vmem>>, vector<16xi32>,
          tpu.vector_store %arg10[%swap3A_270, %swap3A_271, %swap3A_272], %add3A_268 {strides = array<i32>} : memref<2x5x128xi32, #tpu.memory_space<vmem>>, vector<16xi32>,
          %add3A_274 = arith.constant 4 : i32
          %add3A_275 = vector.broadcast %add3A_274 : i32 to vector<16xi32>
          %add3A_276 = arith.addi %shift_left3A_241, %add3A_275 : vector<16xi32>
          %swap3A_277 = arith.constant 4 : i32
          %swap3A_278 = arith.index_cast %rem3A_186 : i32 to index
          %swap3A_279 = arith.index_cast %swap3A_277 : i32 to index
          %swap3A_280 = arith.constant 16 : index
          %swap3A_281 = tpu.vector_load %arg10[%swap3A_278, %swap3A_279, %swap3A_280] {strides = array<i32>} : memref<2x5x128xi32, #tpu.memory_space<vmem>>, vector<16xi32>,
          tpu.vector_store %arg10[%swap3A_278, %swap3A_279, %swap3A_280], %add3A_276 {strides = array<i32>} : memref<2x5x128xi32, #tpu.memory_space<vmem>>, vector<16xi32>,
          %mul3A_282 = arith.constant 128 : i32
          %mul3A_283 = arith.muli %scan3A_179, %mul3A_282 : i32
          %add3A_284 = arith.constant 32 : i32
          %add3A_285 = arith.addi %mul3A_283, %add3A_284 : i32
          %get3A_286 = arith.index_cast %add3A_285 : i32 to index
          %get3A_287 = tpu.vector_load %arg9[%get3A_286] {strides = array<i32>} : memref<3840xi32, #tpu.memory_space<vmem>>, vector<16xi32>,
          %shift_left3A_288 = arith.constant 3 : i32
          %shift_left3A_289 = vector.broadcast %shift_left3A_288 : i32 to vector<16xi32>
          %shift_left3A_290 = arith.shli %get3A_287, %shift_left3A_289 : vector<16xi32>
          %add3A_291 = arith.constant 0 : i32
          %add3A_292 = vector.broadcast %add3A_291 : i32 to vector<16xi32>
          %add3A_293 = arith.addi %shift_left3A_290, %add3A_292 : vector<16xi32>
          %swap3A_294 = arith.constant 0 : i32
          %swap3A_295 = arith.index_cast %rem3A_186 : i32 to index
          %swap3A_296 = arith.index_cast %swap3A_294 : i32 to index
          %swap3A_297 = arith.constant 32 : index
          %swap3A_298 = tpu.vector_load %arg10[%swap3A_295, %swap3A_296, %swap3A_297] {strides = array<i32>} : memref<2x5x128xi32, #tpu.memory_space<vmem>>, vector<16xi32>,
          tpu.vector_store %arg10[%swap3A_295, %swap3A_296, %swap3A_297], %add3A_293 {strides = array<i32>} : memref<2x5x128xi32, #tpu.memory_space<vmem>>, vector<16xi32>,
          %add3A_299 = arith.constant 1 : i32
          %add3A_300 = vector.broadcast %add3A_299 : i32 to vector<16xi32>
          %add3A_301 = arith.addi %shift_left3A_290, %add3A_300 : vector<16xi32>
          %swap3A_302 = arith.constant 1 : i32
          %swap3A_303 = arith.index_cast %rem3A_186 : i32 to index
          %swap3A_304 = arith.index_cast %swap3A_302 : i32 to index
          %swap3A_305 = arith.constant 32 : index
          %swap3A_306 = tpu.vector_load %arg10[%swap3A_303, %swap3A_304, %swap3A_305] {strides = array<i32>} : memref<2x5x128xi32, #tpu.memory_space<vmem>>, vector<16xi32>,
          tpu.vector_store %arg10[%swap3A_303, %swap3A_304, %swap3A_305], %add3A_301 {strides = array<i32>} : memref<2x5x128xi32, #tpu.memory_space<vmem>>, vector<16xi32>,
          %add3A_307 = arith.constant 2 : i32
          %add3A_308 = vector.broadcast %add3A_307 : i32 to vector<16xi32>
          %add3A_309 = arith.addi %shift_left3A_290, %add3A_308 : vector<16xi32>
          %swap3A_310 = arith.constant 2 : i32
          %swap3A_311 = arith.index_cast %rem3A_186 : i32 to index
          %swap3A_312 = arith.index_cast %swap3A_310 : i32 to index
          %swap3A_313 = arith.constant 32 : index
          %swap3A_314 = tpu.vector_load %arg10[%swap3A_311, %swap3A_312, %swap3A_313] {strides = array<i32>} : memref<2x5x128xi32, #tpu.memory_space<vmem>>, vector<16xi32>,
          tpu.vector_store %arg10[%swap3A_311, %swap3A_312, %swap3A_313], %add3A_309 {strides = array<i32>} : memref<2x5x128xi32, #tpu.memory_space<vmem>>, vector<16xi32>,
          %add3A_315 = arith.constant 3 : i32
          %add3A_316 = vector.broadcast %add3A_315 : i32 to vector<16xi32>
          %add3A_317 = arith.addi %shift_left3A_290, %add3A_316 : vector<16xi32>
          %swap3A_318 = arith.constant 3 : i32
          %swap3A_319 = arith.index_cast %rem3A_186 : i32 to index
          %swap3A_320 = arith.index_cast %swap3A_318 : i32 to index
          %swap3A_321 = arith.constant 32 : index
          %swap3A_322 = tpu.vector_load %arg10[%swap3A_319, %swap3A_320, %swap3A_321] {strides = array<i32>} : memref<2x5x128xi32, #tpu.memory_space<vmem>>, vector<16xi32>,
          tpu.vector_store %arg10[%swap3A_319, %swap3A_320, %swap3A_321], %add3A_317 {strides = array<i32>} : memref<2x5x128xi32, #tpu.memory_space<vmem>>, vector<16xi32>,
          %add3A_323 = arith.constant 4 : i32
          %add3A_324 = vector.broadcast %add3A_323 : i32 to vector<16xi32>
          %add3A_325 = arith.addi %shift_left3A_290, %add3A_324 : vector<16xi32>
          %swap3A_326 = arith.constant 4 : i32
          %swap3A_327 = arith.index_cast %rem3A_186 : i32 to index
          %swap3A_328 = arith.index_cast %swap3A_326 : i32 to index
          %swap3A_329 = arith.constant 32 : index
          %swap3A_330 = tpu.vector_load %arg10[%swap3A_327, %swap3A_328, %swap3A_329] {strides = array<i32>} : memref<2x5x128xi32, #tpu.memory_space<vmem>>, vector<16xi32>,
          tpu.vector_store %arg10[%swap3A_327, %swap3A_328, %swap3A_329], %add3A_325 {strides = array<i32>} : memref<2x5x128xi32, #tpu.memory_space<vmem>>, vector<16xi32>,
          %mul3A_331 = arith.constant 128 : i32
          %mul3A_332 = arith.muli %scan3A_179, %mul3A_331 : i32
          %add3A_333 = arith.constant 48 : i32
          %add3A_334 = arith.addi %mul3A_332, %add3A_333 : i32
          %get3A_335 = arith.index_cast %add3A_334 : i32 to index
          %get3A_336 = tpu.vector_load %arg9[%get3A_335] {strides = array<i32>} : memref<3840xi32, #tpu.memory_space<vmem>>, vector<16xi32>,
          %shift_left3A_337 = arith.constant 3 : i32
          %shift_left3A_338 = vector.broadcast %shift_left3A_337 : i32 to vector<16xi32>
          %shift_left3A_339 = arith.shli %get3A_336, %shift_left3A_338 : vector<16xi32>
          %add3A_340 = arith.constant 0 : i32
          %add3A_341 = vector.broadcast %add3A_340 : i32 to vector<16xi32>
          %add3A_342 = arith.addi %shift_left3A_339, %add3A_341 : vector<16xi32>
          %swap3A_343 = arith.constant 0 : i32
          %swap3A_344 = arith.index_cast %rem3A_186 : i32 to index
          %swap3A_345 = arith.index_cast %swap3A_343 : i32 to index
          %swap3A_346 = arith.constant 48 : index
          %swap3A_347 = tpu.vector_load %arg10[%swap3A_344, %swap3A_345, %swap3A_346] {strides = array<i32>} : memref<2x5x128xi32, #tpu.memory_space<vmem>>, vector<16xi32>,
          tpu.vector_store %arg10[%swap3A_344, %swap3A_345, %swap3A_346], %add3A_342 {strides = array<i32>} : memref<2x5x128xi32, #tpu.memory_space<vmem>>, vector<16xi32>,
          %add3A_348 = arith.constant 1 : i32
          %add3A_349 = vector.broadcast %add3A_348 : i32 to vector<16xi32>
          %add3A_350 = arith.addi %shift_left3A_339, %add3A_349 : vector<16xi32>
          %swap3A_351 = arith.constant 1 : i32
          %swap3A_352 = arith.index_cast %rem3A_186 : i32 to index
          %swap3A_353 = arith.index_cast %swap3A_351 : i32 to index
          %swap3A_354 = arith.constant 48 : index
          %swap3A_355 = tpu.vector_load %arg10[%swap3A_352, %swap3A_353, %swap3A_354] {strides = array<i32>} : memref<2x5x128xi32, #tpu.memory_space<vmem>>, vector<16xi32>,
          tpu.vector_store %arg10[%swap3A_352, %swap3A_353, %swap3A_354], %add3A_350 {strides = array<i32>} : memref<2x5x128xi32, #tpu.memory_space<vmem>>, vector<16xi32>,
          %add3A_356 = arith.constant 2 : i32
          %add3A_357 = vector.broadcast %add3A_356 : i32 to vector<16xi32>
          %add3A_358 = arith.addi %shift_left3A_339, %add3A_357 : vector<16xi32>
          %swap3A_359 = arith.constant 2 : i32
          %swap3A_360 = arith.index_cast %rem3A_186 : i32 to index
          %swap3A_361 = arith.index_cast %swap3A_359 : i32 to index
          %swap3A_362 = arith.constant 48 : index
          %swap3A_363 = tpu.vector_load %arg10[%swap3A_360, %swap3A_361, %swap3A_362] {strides = array<i32>} : memref<2x5x128xi32, #tpu.memory_space<vmem>>, vector<16xi32>,
          tpu.vector_store %arg10[%swap3A_360, %swap3A_361, %swap3A_362], %add3A_358 {strides = array<i32>} : memref<2x5x128xi32, #tpu.memory_space<vmem>>, vector<16xi32>,
          %add3A_364 = arith.constant 3 : i32
          %add3A_365 = vector.broadcast %add3A_364 : i32 to vector<16xi32>
          %add3A_366 = arith.addi %shift_left3A_339, %add3A_365 : vector<16xi32>
          %swap3A_367 = arith.constant 3 : i32
          %swap3A_368 = arith.index_cast %rem3A_186 : i32 to index
          %swap3A_369 = arith.index_cast %swap3A_367 : i32 to index
          %swap3A_370 = arith.constant 48 : index
          %swap3A_371 = tpu.vector_load %arg10[%swap3A_368, %swap3A_369, %swap3A_370] {strides = array<i32>} : memref<2x5x128xi32, #tpu.memory_space<vmem>>, vector<16xi32>,
          tpu.vector_store %arg10[%swap3A_368, %swap3A_369, %swap3A_370], %add3A_366 {strides = array<i32>} : memref<2x5x128xi32, #tpu.memory_space<vmem>>, vector<16xi32>,
          %add3A_372 = arith.constant 4 : i32
          %add3A_373 = vector.broadcast %add3A_372 : i32 to vector<16xi32>
          %add3A_374 = arith.addi %shift_left3A_339, %add3A_373 : vector<16xi32>
          %swap3A_375 = arith.constant 4 : i32
          %swap3A_376 = arith.index_cast %rem3A_186 : i32 to index
          %swap3A_377 = arith.index_cast %swap3A_375 : i32 to index
          %swap3A_378 = arith.constant 48 : index
          %swap3A_379 = tpu.vector_load %arg10[%swap3A_376, %swap3A_377, %swap3A_378] {strides = array<i32>} : memref<2x5x128xi32, #tpu.memory_space<vmem>>, vector<16xi32>,
          tpu.vector_store %arg10[%swap3A_376, %swap3A_377, %swap3A_378], %add3A_374 {strides = array<i32>} : memref<2x5x128xi32, #tpu.memory_space<vmem>>, vector<16xi32>,
          %mul3A_380 = arith.constant 128 : i32
          %mul3A_381 = arith.muli %scan3A_179, %mul3A_380 : i32
          %add3A_382 = arith.constant 64 : i32
          %add3A_383 = arith.addi %mul3A_381, %add3A_382 : i32
          %get3A_384 = arith.index_cast %add3A_383 : i32 to index
          %get3A_385 = tpu.vector_load %arg9[%get3A_384] {strides = array<i32>} : memref<3840xi32, #tpu.memory_space<vmem>>, vector<16xi32>,
          %shift_left3A_386 = arith.constant 3 : i32
          %shift_left3A_387 = vector.broadcast %shift_left3A_386 : i32 to vector<16xi32>
          %shift_left3A_388 = arith.shli %get3A_385, %shift_left3A_387 : vector<16xi32>
          %add3A_389 = arith.constant 0 : i32
          %add3A_390 = vector.broadcast %add3A_389 : i32 to vector<16xi32>
          %add3A_391 = arith.addi %shift_left3A_388, %add3A_390 : vector<16xi32>
          %swap3A_392 = arith.constant 0 : i32
          %swap3A_393 = arith.index_cast %rem3A_186 : i32 to index
          %swap3A_394 = arith.index_cast %swap3A_392 : i32 to index
          %swap3A_395 = arith.constant 64 : index
          %swap3A_396 = tpu.vector_load %arg10[%swap3A_393, %swap3A_394, %swap3A_395] {strides = array<i32>} : memref<2x5x128xi32, #tpu.memory_space<vmem>>, vector<16xi32>,
          tpu.vector_store %arg10[%swap3A_393, %swap3A_394, %swap3A_395], %add3A_391 {strides = array<i32>} : memref<2x5x128xi32, #tpu.memory_space<vmem>>, vector<16xi32>,
          %add3A_397 = arith.constant 1 : i32
          %add3A_398 = vector.broadcast %add3A_397 : i32 to vector<16xi32>
          %add3A_399 = arith.addi %shift_left3A_388, %add3A_398 : vector<16xi32>
          %swap3A_400 = arith.constant 1 : i32
          %swap3A_401 = arith.index_cast %rem3A_186 : i32 to index
          %swap3A_402 = arith.index_cast %swap3A_400 : i32 to index
          %swap3A_403 = arith.constant 64 : index
          %swap3A_404 = tpu.vector_load %arg10[%swap3A_401, %swap3A_402, %swap3A_403] {strides = array<i32>} : memref<2x5x128xi32, #tpu.memory_space<vmem>>, vector<16xi32>,
          tpu.vector_store %arg10[%swap3A_401, %swap3A_402, %swap3A_403], %add3A_399 {strides = array<i32>} : memref<2x5x128xi32, #tpu.memory_space<vmem>>, vector<16xi32>,
          %add3A_405 = arith.constant 2 : i32
          %add3A_406 = vector.broadcast %add3A_405 : i32 to vector<16xi32>
          %add3A_407 = arith.addi %shift_left3A_388, %add3A_406 : vector<16xi32>
          %swap3A_408 = arith.constant 2 : i32
          %swap3A_409 = arith.index_cast %rem3A_186 : i32 to index
          %swap3A_410 = arith.index_cast %swap3A_408 : i32 to index
          %swap3A_411 = arith.constant 64 : index
          %swap3A_412 = tpu.vector_load %arg10[%swap3A_409, %swap3A_410, %swap3A_411] {strides = array<i32>} : memref<2x5x128xi32, #tpu.memory_space<vmem>>, vector<16xi32>,
          tpu.vector_store %arg10[%swap3A_409, %swap3A_410, %swap3A_411], %add3A_407 {strides = array<i32>} : memref<2x5x128xi32, #tpu.memory_space<vmem>>, vector<16xi32>,
          %add3A_413 = arith.constant 3 : i32
          %add3A_414 = vector.broadcast %add3A_413 : i32 to vector<16xi32>
          %add3A_415 = arith.addi %shift_left3A_388, %add3A_414 : vector<16xi32>
          %swap3A_416 = arith.constant 3 : i32
          %swap3A_417 = arith.index_cast %rem3A_186 : i32 to index
          %swap3A_418 = arith.index_cast %swap3A_416 : i32 to index
          %swap3A_419 = arith.constant 64 : index
          %swap3A_420 = tpu.vector_load %arg10[%swap3A_417, %swap3A_418, %swap3A_419] {strides = array<i32>} : memref<2x5x128xi32, #tpu.memory_space<vmem>>, vector<16xi32>,
          tpu.vector_store %arg10[%swap3A_417, %swap3A_418, %swap3A_419], %add3A_415 {strides = array<i32>} : memref<2x5x128xi32, #tpu.memory_space<vmem>>, vector<16xi32>,
          %add3A_421 = arith.constant 4 : i32
          %add3A_422 = vector.broadcast %add3A_421 : i32 to vector<16xi32>
          %add3A_423 = arith.addi %shift_left3A_388, %add3A_422 : vector<16xi32>
          %swap3A_424 = arith.constant 4 : i32
          %swap3A_425 = arith.index_cast %rem3A_186 : i32 to index
          %swap3A_426 = arith.index_cast %swap3A_424 : i32 to index
          %swap3A_427 = arith.constant 64 : index
          %swap3A_428 = tpu.vector_load %arg10[%swap3A_425, %swap3A_426, %swap3A_427] {strides = array<i32>} : memref<2x5x128xi32, #tpu.memory_space<vmem>>, vector<16xi32>,
          tpu.vector_store %arg10[%swap3A_425, %swap3A_426, %swap3A_427], %add3A_423 {strides = array<i32>} : memref<2x5x128xi32, #tpu.memory_space<vmem>>, vector<16xi32>,
          %mul3A_429 = arith.constant 128 : i32
          %mul3A_430 = arith.muli %scan3A_179, %mul3A_429 : i32
          %add3A_431 = arith.constant 80 : i32
          %add3A_432 = arith.addi %mul3A_430, %add3A_431 : i32
          %get3A_433 = arith.index_cast %add3A_432 : i32 to index
          %get3A_434 = tpu.vector_load %arg9[%get3A_433] {strides = array<i32>} : memref<3840xi32, #tpu.memory_space<vmem>>, vector<16xi32>,
          %shift_left3A_435 = arith.constant 3 : i32
          %shift_left3A_436 = vector.broadcast %shift_left3A_435 : i32 to vector<16xi32>
          %shift_left3A_437 = arith.shli %get3A_434, %shift_left3A_436 : vector<16xi32>
          %add3A_438 = arith.constant 0 : i32
          %add3A_439 = vector.broadcast %add3A_438 : i32 to vector<16xi32>
          %add3A_440 = arith.addi %shift_left3A_437, %add3A_439 : vector<16xi32>
          %swap3A_441 = arith.constant 0 : i32
          %swap3A_442 = arith.index_cast %rem3A_186 : i32 to index
          %swap3A_443 = arith.index_cast %swap3A_441 : i32 to index
          %swap3A_444 = arith.constant 80 : index
          %swap3A_445 = tpu.vector_load %arg10[%swap3A_442, %swap3A_443, %swap3A_444] {strides = array<i32>} : memref<2x5x128xi32, #tpu.memory_space<vmem>>, vector<16xi32>,
          tpu.vector_store %arg10[%swap3A_442, %swap3A_443, %swap3A_444], %add3A_440 {strides = array<i32>} : memref<2x5x128xi32, #tpu.memory_space<vmem>>, vector<16xi32>,
          %add3A_446 = arith.constant 1 : i32
          %add3A_447 = vector.broadcast %add3A_446 : i32 to vector<16xi32>
          %add3A_448 = arith.addi %shift_left3A_437, %add3A_447 : vector<16xi32>
          %swap3A_449 = arith.constant 1 : i32
          %swap3A_450 = arith.index_cast %rem3A_186 : i32 to index
          %swap3A_451 = arith.index_cast %swap3A_449 : i32 to index
          %swap3A_452 = arith.constant 80 : index
          %swap3A_453 = tpu.vector_load %arg10[%swap3A_450, %swap3A_451, %swap3A_452] {strides = array<i32>} : memref<2x5x128xi32, #tpu.memory_space<vmem>>, vector<16xi32>,
          tpu.vector_store %arg10[%swap3A_450, %swap3A_451, %swap3A_452], %add3A_448 {strides = array<i32>} : memref<2x5x128xi32, #tpu.memory_space<vmem>>, vector<16xi32>,
          %add3A_454 = arith.constant 2 : i32
          %add3A_455 = vector.broadcast %add3A_454 : i32 to vector<16xi32>
          %add3A_456 = arith.addi %shift_left3A_437, %add3A_455 : vector<16xi32>
          %swap3A_457 = arith.constant 2 : i32
          %swap3A_458 = arith.index_cast %rem3A_186 : i32 to index
          %swap3A_459 = arith.index_cast %swap3A_457 : i32 to index
          %swap3A_460 = arith.constant 80 : index
          %swap3A_461 = tpu.vector_load %arg10[%swap3A_458, %swap3A_459, %swap3A_460] {strides = array<i32>} : memref<2x5x128xi32, #tpu.memory_space<vmem>>, vector<16xi32>,
          tpu.vector_store %arg10[%swap3A_458, %swap3A_459, %swap3A_460], %add3A_456 {strides = array<i32>} : memref<2x5x128xi32, #tpu.memory_space<vmem>>, vector<16xi32>,
          %add3A_462 = arith.constant 3 : i32
          %add3A_463 = vector.broadcast %add3A_462 : i32 to vector<16xi32>
          %add3A_464 = arith.addi %shift_left3A_437, %add3A_463 : vector<16xi32>
          %swap3A_465 = arith.constant 3 : i32
          %swap3A_466 = arith.index_cast %rem3A_186 : i32 to index
          %swap3A_467 = arith.index_cast %swap3A_465 : i32 to index
          %swap3A_468 = arith.constant 80 : index
          %swap3A_469 = tpu.vector_load %arg10[%swap3A_466, %swap3A_467, %swap3A_468] {strides = array<i32>} : memref<2x5x128xi32, #tpu.memory_space<vmem>>, vector<16xi32>,
          tpu.vector_store %arg10[%swap3A_466, %swap3A_467, %swap3A_468], %add3A_464 {strides = array<i32>} : memref<2x5x128xi32, #tpu.memory_space<vmem>>, vector<16xi32>,
          %add3A_470 = arith.constant 4 : i32
          %add3A_471 = vector.broadcast %add3A_470 : i32 to vector<16xi32>
          %add3A_472 = arith.addi %shift_left3A_437, %add3A_471 : vector<16xi32>
          %swap3A_473 = arith.constant 4 : i32
          %swap3A_474 = arith.index_cast %rem3A_186 : i32 to index
          %swap3A_475 = arith.index_cast %swap3A_473 : i32 to index
          %swap3A_476 = arith.constant 80 : index
          %swap3A_477 = tpu.vector_load %arg10[%swap3A_474, %swap3A_475, %swap3A_476] {strides = array<i32>} : memref<2x5x128xi32, #tpu.memory_space<vmem>>, vector<16xi32>,
          tpu.vector_store %arg10[%swap3A_474, %swap3A_475, %swap3A_476], %add3A_472 {strides = array<i32>} : memref<2x5x128xi32, #tpu.memory_space<vmem>>, vector<16xi32>,
          %mul3A_478 = arith.constant 128 : i32
          %mul3A_479 = arith.muli %scan3A_179, %mul3A_478 : i32
          %add3A_480 = arith.constant 96 : i32
          %add3A_481 = arith.addi %mul3A_479, %add3A_480 : i32
          %get3A_482 = arith.index_cast %add3A_481 : i32 to index
          %get3A_483 = tpu.vector_load %arg9[%get3A_482] {strides = array<i32>} : memref<3840xi32, #tpu.memory_space<vmem>>, vector<16xi32>,
          %shift_left3A_484 = arith.constant 3 : i32
          %shift_left3A_485 = vector.broadcast %shift_left3A_484 : i32 to vector<16xi32>
          %shift_left3A_486 = arith.shli %get3A_483, %shift_left3A_485 : vector<16xi32>
          %add3A_487 = arith.constant 0 : i32
          %add3A_488 = vector.broadcast %add3A_487 : i32 to vector<16xi32>
          %add3A_489 = arith.addi %shift_left3A_486, %add3A_488 : vector<16xi32>
          %swap3A_490 = arith.constant 0 : i32
          %swap3A_491 = arith.index_cast %rem3A_186 : i32 to index
          %swap3A_492 = arith.index_cast %swap3A_490 : i32 to index
          %swap3A_493 = arith.constant 96 : index
          %swap3A_494 = tpu.vector_load %arg10[%swap3A_491, %swap3A_492, %swap3A_493] {strides = array<i32>} : memref<2x5x128xi32, #tpu.memory_space<vmem>>, vector<16xi32>,
          tpu.vector_store %arg10[%swap3A_491, %swap3A_492, %swap3A_493], %add3A_489 {strides = array<i32>} : memref<2x5x128xi32, #tpu.memory_space<vmem>>, vector<16xi32>,
          %add3A_495 = arith.constant 1 : i32
          %add3A_496 = vector.broadcast %add3A_495 : i32 to vector<16xi32>
          %add3A_497 = arith.addi %shift_left3A_486, %add3A_496 : vector<16xi32>
          %swap3A_498 = arith.constant 1 : i32
          %swap3A_499 = arith.index_cast %rem3A_186 : i32 to index
          %swap3A_500 = arith.index_cast %swap3A_498 : i32 to index
          %swap3A_501 = arith.constant 96 : index
          %swap3A_502 = tpu.vector_load %arg10[%swap3A_499, %swap3A_500, %swap3A_501] {strides = array<i32>} : memref<2x5x128xi32, #tpu.memory_space<vmem>>, vector<16xi32>,
          tpu.vector_store %arg10[%swap3A_499, %swap3A_500, %swap3A_501], %add3A_497 {strides = array<i32>} : memref<2x5x128xi32, #tpu.memory_space<vmem>>, vector<16xi32>,
          %add3A_503 = arith.constant 2 : i32
          %add3A_504 = vector.broadcast %add3A_503 : i32 to vector<16xi32>
          %add3A_505 = arith.addi %shift_left3A_486, %add3A_504 : vector<16xi32>
          %swap3A_506 = arith.constant 2 : i32
          %swap3A_507 = arith.index_cast %rem3A_186 : i32 to index
          %swap3A_508 = arith.index_cast %swap3A_506 : i32 to index
          %swap3A_509 = arith.constant 96 : index
          %swap3A_510 = tpu.vector_load %arg10[%swap3A_507, %swap3A_508, %swap3A_509] {strides = array<i32>} : memref<2x5x128xi32, #tpu.memory_space<vmem>>, vector<16xi32>,
          tpu.vector_store %arg10[%swap3A_507, %swap3A_508, %swap3A_509], %add3A_505 {strides = array<i32>} : memref<2x5x128xi32, #tpu.memory_space<vmem>>, vector<16xi32>,
          %add3A_511 = arith.constant 3 : i32
          %add3A_512 = vector.broadcast %add3A_511 : i32 to vector<16xi32>
          %add3A_513 = arith.addi %shift_left3A_486, %add3A_512 : vector<16xi32>
          %swap3A_514 = arith.constant 3 : i32
          %swap3A_515 = arith.index_cast %rem3A_186 : i32 to index
          %swap3A_516 = arith.index_cast %swap3A_514 : i32 to index
          %swap3A_517 = arith.constant 96 : index
          %swap3A_518 = tpu.vector_load %arg10[%swap3A_515, %swap3A_516, %swap3A_517] {strides = array<i32>} : memref<2x5x128xi32, #tpu.memory_space<vmem>>, vector<16xi32>,
          tpu.vector_store %arg10[%swap3A_515, %swap3A_516, %swap3A_517], %add3A_513 {strides = array<i32>} : memref<2x5x128xi32, #tpu.memory_space<vmem>>, vector<16xi32>,
          %add3A_519 = arith.constant 4 : i32
          %add3A_520 = vector.broadcast %add3A_519 : i32 to vector<16xi32>
          %add3A_521 = arith.addi %shift_left3A_486, %add3A_520 : vector<16xi32>
          %swap3A_522 = arith.constant 4 : i32
          %swap3A_523 = arith.index_cast %rem3A_186 : i32 to index
          %swap3A_524 = arith.index_cast %swap3A_522 : i32 to index
          %swap3A_525 = arith.constant 96 : index
          %swap3A_526 = tpu.vector_load %arg10[%swap3A_523, %swap3A_524, %swap3A_525] {strides = array<i32>} : memref<2x5x128xi32, #tpu.memory_space<vmem>>, vector<16xi32>,
          tpu.vector_store %arg10[%swap3A_523, %swap3A_524, %swap3A_525], %add3A_521 {strides = array<i32>} : memref<2x5x128xi32, #tpu.memory_space<vmem>>, vector<16xi32>,
          %mul3A_527 = arith.constant 128 : i32
          %mul3A_528 = arith.muli %scan3A_179, %mul3A_527 : i32
          %add3A_529 = arith.constant 112 : i32
          %add3A_530 = arith.addi %mul3A_528, %add3A_529 : i32
          %get3A_531 = arith.index_cast %add3A_530 : i32 to index
          %get3A_532 = tpu.vector_load %arg9[%get3A_531] {strides = array<i32>} : memref<3840xi32, #tpu.memory_space<vmem>>, vector<16xi32>,
          %shift_left3A_533 = arith.constant 3 : i32
          %shift_left3A_534 = vector.broadcast %shift_left3A_533 : i32 to vector<16xi32>
          %shift_left3A_535 = arith.shli %get3A_532, %shift_left3A_534 : vector<16xi32>
          %add3A_536 = arith.constant 0 : i32
          %add3A_537 = vector.broadcast %add3A_536 : i32 to vector<16xi32>
          %add3A_538 = arith.addi %shift_left3A_535, %add3A_537 : vector<16xi32>
          %swap3A_539 = arith.constant 0 : i32
          %swap3A_540 = arith.index_cast %rem3A_186 : i32 to index
          %swap3A_541 = arith.index_cast %swap3A_539 : i32 to index
          %swap3A_542 = arith.constant 112 : index
          %swap3A_543 = tpu.vector_load %arg10[%swap3A_540, %swap3A_541, %swap3A_542] {strides = array<i32>} : memref<2x5x128xi32, #tpu.memory_space<vmem>>, vector<16xi32>,
          tpu.vector_store %arg10[%swap3A_540, %swap3A_541, %swap3A_542], %add3A_538 {strides = array<i32>} : memref<2x5x128xi32, #tpu.memory_space<vmem>>, vector<16xi32>,
          %add3A_544 = arith.constant 1 : i32
          %add3A_545 = vector.broadcast %add3A_544 : i32 to vector<16xi32>
          %add3A_546 = arith.addi %shift_left3A_535, %add3A_545 : vector<16xi32>
          %swap3A_547 = arith.constant 1 : i32
          %swap3A_548 = arith.index_cast %rem3A_186 : i32 to index
          %swap3A_549 = arith.index_cast %swap3A_547 : i32 to index
          %swap3A_550 = arith.constant 112 : index
          %swap3A_551 = tpu.vector_load %arg10[%swap3A_548, %swap3A_549, %swap3A_550] {strides = array<i32>} : memref<2x5x128xi32, #tpu.memory_space<vmem>>, vector<16xi32>,
          tpu.vector_store %arg10[%swap3A_548, %swap3A_549, %swap3A_550], %add3A_546 {strides = array<i32>} : memref<2x5x128xi32, #tpu.memory_space<vmem>>, vector<16xi32>,
          %add3A_552 = arith.constant 2 : i32
          %add3A_553 = vector.broadcast %add3A_552 : i32 to vector<16xi32>
          %add3A_554 = arith.addi %shift_left3A_535, %add3A_553 : vector<16xi32>
          %swap3A_555 = arith.constant 2 : i32
          %swap3A_556 = arith.index_cast %rem3A_186 : i32 to index
          %swap3A_557 = arith.index_cast %swap3A_555 : i32 to index
          %swap3A_558 = arith.constant 112 : index
          %swap3A_559 = tpu.vector_load %arg10[%swap3A_556, %swap3A_557, %swap3A_558] {strides = array<i32>} : memref<2x5x128xi32, #tpu.memory_space<vmem>>, vector<16xi32>,
          tpu.vector_store %arg10[%swap3A_556, %swap3A_557, %swap3A_558], %add3A_554 {strides = array<i32>} : memref<2x5x128xi32, #tpu.memory_space<vmem>>, vector<16xi32>,
          %add3A_560 = arith.constant 3 : i32
          %add3A_561 = vector.broadcast %add3A_560 : i32 to vector<16xi32>
          %add3A_562 = arith.addi %shift_left3A_535, %add3A_561 : vector<16xi32>
          %swap3A_563 = arith.constant 3 : i32
          %swap3A_564 = arith.index_cast %rem3A_186 : i32 to index
          %swap3A_565 = arith.index_cast %swap3A_563 : i32 to index
          %swap3A_566 = arith.constant 112 : index
          %swap3A_567 = tpu.vector_load %arg10[%swap3A_564, %swap3A_565, %swap3A_566] {strides = array<i32>} : memref<2x5x128xi32, #tpu.memory_space<vmem>>, vector<16xi32>,
          tpu.vector_store %arg10[%swap3A_564, %swap3A_565, %swap3A_566], %add3A_562 {strides = array<i32>} : memref<2x5x128xi32, #tpu.memory_space<vmem>>, vector<16xi32>,
          %add3A_568 = arith.constant 4 : i32
          %add3A_569 = vector.broadcast %add3A_568 : i32 to vector<16xi32>
          %add3A_570 = arith.addi %shift_left3A_535, %add3A_569 : vector<16xi32>
          %swap3A_571 = arith.constant 4 : i32
          %swap3A_572 = arith.index_cast %rem3A_186 : i32 to index
          %swap3A_573 = arith.index_cast %swap3A_571 : i32 to index
          %swap3A_574 = arith.constant 112 : index
          %swap3A_575 = tpu.vector_load %arg10[%swap3A_572, %swap3A_573, %swap3A_574] {strides = array<i32>} : memref<2x5x128xi32, #tpu.memory_space<vmem>>, vector<16xi32>,
          tpu.vector_store %arg10[%swap3A_572, %swap3A_573, %swap3A_574], %add3A_570 {strides = array<i32>} : memref<2x5x128xi32, #tpu.memory_space<vmem>>, vector<16xi32>,
          %mul3A_576 = arith.constant 128 : i32
          %mul3A_577 = arith.muli %scan3A_179, %mul3A_576 : i32
          %dma_start3A_578 = arith.constant 0 : i32
          %dma_start3A_579 = arith.constant 0 : i32
          %dma_start3A_580 = arith.constant 0 : i32
          %dma_start3A_581 = tpu.memref_slice %arg8[%dma_start3A_578, %mul3A_577] : memref<5x3840xf32, #tpu.memory_space<vmem>> -> memref<1x128xf32, #tpu.memory_space<vmem>>
          %dma_start3A_582 = tpu.memref_squeeze %dma_start3A_581 : memref<1x128xf32, #tpu.memory_space<vmem>> -> memref<128xf32, #tpu.memory_space<vmem>>
          %dma_start3A_583 = arith.constant 0 : i32
          %dma_start3A_584 = tpu.memref_slice %arg10[%rem3A_186, %dma_start3A_579, %dma_start3A_583] : memref<2x5x128xi32, #tpu.memory_space<vmem>> -> memref<1x1x128xi32, #tpu.memory_space<vmem>>
          %dma_start3A_585 = tpu.memref_squeeze %dma_start3A_584 : memref<1x1x128xi32, #tpu.memory_space<vmem>> -> memref<128xi32, #tpu.memory_space<vmem>>
          %dma_start3A_586 = arith.constant 0 : i32
          %dma_start3A_587 = tpu.memref_slice %arg12[%dma_start3A_586] : memref<655360xf32, #tpu.memory_space<vmem_shared>> -> memref<655360xf32, #tpu.memory_space<vmem_shared>>
          %dma_start3A_588 = tpu.memref_slice %run_scoped3A_12[%rem3A_186, %dma_start3A_580] : memref<2x5x!tpu.dma_semaphore, #tpu.memory_space<semaphore_mem>> -> memref<1x1x!tpu.dma_semaphore, #tpu.memory_space<semaphore_mem>>
          %dma_start3A_589 = tpu.memref_squeeze %dma_start3A_588 : memref<1x1x!tpu.dma_semaphore, #tpu.memory_space<semaphore_mem>> -> memref<!tpu.dma_semaphore, #tpu.memory_space<semaphore_mem>>
          tpu.enqueue_indirect_dma source(%dma_start3A_582 : memref<128xf32, #tpu.memory_space<vmem>>) target(%dma_start3A_587 : memref<655360xf32, #tpu.memory_space<vmem_shared>>) offsets(%dma_start3A_585 : memref<128xi32, #tpu.memory_space<vmem>>) semaphore(%dma_start3A_589 : memref<!tpu.dma_semaphore, #tpu.memory_space<semaphore_mem>>) {add = true}
          %mul3A_590 = arith.constant 128 : i32
          %mul3A_591 = arith.muli %scan3A_179, %mul3A_590 : i32
          %dma_start3A_592 = arith.constant 1 : i32
          %dma_start3A_593 = arith.constant 1 : i32
          %dma_start3A_594 = arith.constant 1 : i32
          %dma_start3A_595 = tpu.memref_slice %arg8[%dma_start3A_592, %mul3A_591] : memref<5x3840xf32, #tpu.memory_space<vmem>> -> memref<1x128xf32, #tpu.memory_space<vmem>>
          %dma_start3A_596 = tpu.memref_squeeze %dma_start3A_595 : memref<1x128xf32, #tpu.memory_space<vmem>> -> memref<128xf32, #tpu.memory_space<vmem>>
          %dma_start3A_597 = arith.constant 0 : i32
          %dma_start3A_598 = tpu.memref_slice %arg10[%rem3A_186, %dma_start3A_593, %dma_start3A_597] : memref<2x5x128xi32, #tpu.memory_space<vmem>> -> memref<1x1x128xi32, #tpu.memory_space<vmem>>
          %dma_start3A_599 = tpu.memref_squeeze %dma_start3A_598 : memref<1x1x128xi32, #tpu.memory_space<vmem>> -> memref<128xi32, #tpu.memory_space<vmem>>
          %dma_start3A_600 = arith.constant 0 : i32
          %dma_start3A_601 = tpu.memref_slice %arg12[%dma_start3A_600] : memref<655360xf32, #tpu.memory_space<vmem_shared>> -> memref<655360xf32, #tpu.memory_space<vmem_shared>>
          %dma_start3A_602 = tpu.memref_slice %run_scoped3A_12[%rem3A_186, %dma_start3A_594] : memref<2x5x!tpu.dma_semaphore, #tpu.memory_space<semaphore_mem>> -> memref<1x1x!tpu.dma_semaphore, #tpu.memory_space<semaphore_mem>>
          %dma_start3A_603 = tpu.memref_squeeze %dma_start3A_602 : memref<1x1x!tpu.dma_semaphore, #tpu.memory_space<semaphore_mem>> -> memref<!tpu.dma_semaphore, #tpu.memory_space<semaphore_mem>>
          tpu.enqueue_indirect_dma source(%dma_start3A_596 : memref<128xf32, #tpu.memory_space<vmem>>) target(%dma_start3A_601 : memref<655360xf32, #tpu.memory_space<vmem_shared>>) offsets(%dma_start3A_599 : memref<128xi32, #tpu.memory_space<vmem>>) semaphore(%dma_start3A_603 : memref<!tpu.dma_semaphore, #tpu.memory_space<semaphore_mem>>) {add = true}
          %mul3A_604 = arith.constant 128 : i32
          %mul3A_605 = arith.muli %scan3A_179, %mul3A_604 : i32
          %dma_start3A_606 = arith.constant 2 : i32
          %dma_start3A_607 = arith.constant 2 : i32
          %dma_start3A_608 = arith.constant 2 : i32
          %dma_start3A_609 = tpu.memref_slice %arg8[%dma_start3A_606, %mul3A_605] : memref<5x3840xf32, #tpu.memory_space<vmem>> -> memref<1x128xf32, #tpu.memory_space<vmem>>
          %dma_start3A_610 = tpu.memref_squeeze %dma_start3A_609 : memref<1x128xf32, #tpu.memory_space<vmem>> -> memref<128xf32, #tpu.memory_space<vmem>>
          %dma_start3A_611 = arith.constant 0 : i32
          %dma_start3A_612 = tpu.memref_slice %arg10[%rem3A_186, %dma_start3A_607, %dma_start3A_611] : memref<2x5x128xi32, #tpu.memory_space<vmem>> -> memref<1x1x128xi32, #tpu.memory_space<vmem>>
          %dma_start3A_613 = tpu.memref_squeeze %dma_start3A_612 : memref<1x1x128xi32, #tpu.memory_space<vmem>> -> memref<128xi32, #tpu.memory_space<vmem>>
          %dma_start3A_614 = arith.constant 0 : i32
          %dma_start3A_615 = tpu.memref_slice %arg12[%dma_start3A_614] : memref<655360xf32, #tpu.memory_space<vmem_shared>> -> memref<655360xf32, #tpu.memory_space<vmem_shared>>
          %dma_start3A_616 = tpu.memref_slice %run_scoped3A_12[%rem3A_186, %dma_start3A_608] : memref<2x5x!tpu.dma_semaphore, #tpu.memory_space<semaphore_mem>> -> memref<1x1x!tpu.dma_semaphore, #tpu.memory_space<semaphore_mem>>
          %dma_start3A_617 = tpu.memref_squeeze %dma_start3A_616 : memref<1x1x!tpu.dma_semaphore, #tpu.memory_space<semaphore_mem>> -> memref<!tpu.dma_semaphore, #tpu.memory_space<semaphore_mem>>
          tpu.enqueue_indirect_dma source(%dma_start3A_610 : memref<128xf32, #tpu.memory_space<vmem>>) target(%dma_start3A_615 : memref<655360xf32, #tpu.memory_space<vmem_shared>>) offsets(%dma_start3A_613 : memref<128xi32, #tpu.memory_space<vmem>>) semaphore(%dma_start3A_617 : memref<!tpu.dma_semaphore, #tpu.memory_space<semaphore_mem>>) {add = true}
          %mul3A_618 = arith.constant 128 : i32
          %mul3A_619 = arith.muli %scan3A_179, %mul3A_618 : i32
          %dma_start3A_620 = arith.constant 3 : i32
          %dma_start3A_621 = arith.constant 3 : i32
          %dma_start3A_622 = arith.constant 3 : i32
          %dma_start3A_623 = tpu.memref_slice %arg8[%dma_start3A_620, %mul3A_619] : memref<5x3840xf32, #tpu.memory_space<vmem>> -> memref<1x128xf32, #tpu.memory_space<vmem>>
          %dma_start3A_624 = tpu.memref_squeeze %dma_start3A_623 : memref<1x128xf32, #tpu.memory_space<vmem>> -> memref<128xf32, #tpu.memory_space<vmem>>
          %dma_start3A_625 = arith.constant 0 : i32
          %dma_start3A_626 = tpu.memref_slice %arg10[%rem3A_186, %dma_start3A_621, %dma_start3A_625] : memref<2x5x128xi32, #tpu.memory_space<vmem>> -> memref<1x1x128xi32, #tpu.memory_space<vmem>>
          %dma_start3A_627 = tpu.memref_squeeze %dma_start3A_626 : memref<1x1x128xi32, #tpu.memory_space<vmem>> -> memref<128xi32, #tpu.memory_space<vmem>>
          %dma_start3A_628 = arith.constant 0 : i32
          %dma_start3A_629 = tpu.memref_slice %arg12[%dma_start3A_628] : memref<655360xf32, #tpu.memory_space<vmem_shared>> -> memref<655360xf32, #tpu.memory_space<vmem_shared>>
          %dma_start3A_630 = tpu.memref_slice %run_scoped3A_12[%rem3A_186, %dma_start3A_622] : memref<2x5x!tpu.dma_semaphore, #tpu.memory_space<semaphore_mem>> -> memref<1x1x!tpu.dma_semaphore, #tpu.memory_space<semaphore_mem>>
          %dma_start3A_631 = tpu.memref_squeeze %dma_start3A_630 : memref<1x1x!tpu.dma_semaphore, #tpu.memory_space<semaphore_mem>> -> memref<!tpu.dma_semaphore, #tpu.memory_space<semaphore_mem>>
          tpu.enqueue_indirect_dma source(%dma_start3A_624 : memref<128xf32, #tpu.memory_space<vmem>>) target(%dma_start3A_629 : memref<655360xf32, #tpu.memory_space<vmem_shared>>) offsets(%dma_start3A_627 : memref<128xi32, #tpu.memory_space<vmem>>) semaphore(%dma_start3A_631 : memref<!tpu.dma_semaphore, #tpu.memory_space<semaphore_mem>>) {add = true}
          %mul3A_632 = arith.constant 128 : i32
          %mul3A_633 = arith.muli %scan3A_179, %mul3A_632 : i32
          %dma_start3A_634 = arith.constant 4 : i32
          %dma_start3A_635 = arith.constant 4 : i32
          %dma_start3A_636 = arith.constant 4 : i32
          %dma_start3A_637 = tpu.memref_slice %arg8[%dma_start3A_634, %mul3A_633] : memref<5x3840xf32, #tpu.memory_space<vmem>> -> memref<1x128xf32, #tpu.memory_space<vmem>>
          %dma_start3A_638 = tpu.memref_squeeze %dma_start3A_637 : memref<1x128xf32, #tpu.memory_space<vmem>> -> memref<128xf32, #tpu.memory_space<vmem>>
          %dma_start3A_639 = arith.constant 0 : i32
          %dma_start3A_640 = tpu.memref_slice %arg10[%rem3A_186, %dma_start3A_635, %dma_start3A_639] : memref<2x5x128xi32, #tpu.memory_space<vmem>> -> memref<1x1x128xi32, #tpu.memory_space<vmem>>
          %dma_start3A_641 = tpu.memref_squeeze %dma_start3A_640 : memref<1x1x128xi32, #tpu.memory_space<vmem>> -> memref<128xi32, #tpu.memory_space<vmem>>
          %dma_start3A_642 = arith.constant 0 : i32
          %dma_start3A_643 = tpu.memref_slice %arg12[%dma_start3A_642] : memref<655360xf32, #tpu.memory_space<vmem_shared>> -> memref<655360xf32, #tpu.memory_space<vmem_shared>>
          %dma_start3A_644 = tpu.memref_slice %run_scoped3A_12[%rem3A_186, %dma_start3A_636] : memref<2x5x!tpu.dma_semaphore, #tpu.memory_space<semaphore_mem>> -> memref<1x1x!tpu.dma_semaphore, #tpu.memory_space<semaphore_mem>>
          %dma_start3A_645 = tpu.memref_squeeze %dma_start3A_644 : memref<1x1x!tpu.dma_semaphore, #tpu.memory_space<semaphore_mem>> -> memref<!tpu.dma_semaphore, #tpu.memory_space<semaphore_mem>>
          tpu.enqueue_indirect_dma source(%dma_start3A_638 : memref<128xf32, #tpu.memory_space<vmem>>) target(%dma_start3A_643 : memref<655360xf32, #tpu.memory_space<vmem_shared>>) offsets(%dma_start3A_641 : memref<128xi32, #tpu.memory_space<vmem>>) semaphore(%dma_start3A_645 : memref<!tpu.dma_semaphore, #tpu.memory_space<semaphore_mem>>) {add = true}
        } else {
        }
        %gt3A = arith.constant 0 : i32
        %gt3A_182 = arith.cmpi sgt, %scan3A_179, %gt3A : i32
        %convert_element_type3A_183 = arith.extui %gt3A_182 : i1 to i32
        %cond3A_184 = arith.constant 0 : i32
        %cond3A_185 = arith.cmpi ne, %convert_element_type3A_183, %cond3A_184 : i32
        scf.if %cond3A_185 {
          %sub3A = arith.constant 1 : i32
          %sub3A_186 = arith.subi %scan3A_179, %sub3A : i32
          %sub3A_187 = arith.constant 1 : i32
          %sub3A_188 = arith.subi %scan3A_179, %sub3A_187 : i32
          %rem3A = arith.constant 2 : i32
          %rem3A_189 = arith.remsi %sub3A_188, %rem3A : i32
          %mul3A_190 = arith.constant 128 : i32
          %mul3A_191 = arith.muli %sub3A_186, %mul3A_190 : i32
          %dma_wait3A_192 = arith.constant 0 : i32
          %dma_wait3A_193 = arith.constant 0 : i32
          %dma_wait3A_194 = arith.constant 0 : i32
          %dma_wait3A_195 = tpu.memref_slice %arg8[%dma_wait3A_192, %mul3A_191] : memref<5x3840xf32, #tpu.memory_space<vmem>> -> memref<1x128xf32, #tpu.memory_space<vmem>>
          %dma_wait3A_196 = tpu.memref_squeeze %dma_wait3A_195 : memref<1x128xf32, #tpu.memory_space<vmem>> -> memref<128xf32, #tpu.memory_space<vmem>>
          %dma_wait3A_197 = arith.constant 0 : i32
          %dma_wait3A_198 = tpu.memref_slice %arg10[%rem3A_189, %dma_wait3A_193, %dma_wait3A_197] : memref<2x5x128xi32, #tpu.memory_space<vmem>> -> memref<1x1x128xi32, #tpu.memory_space<vmem>>
          %dma_wait3A_199 = tpu.memref_squeeze %dma_wait3A_198 : memref<1x1x128xi32, #tpu.memory_space<vmem>> -> memref<128xi32, #tpu.memory_space<vmem>>
          %dma_wait3A_200 = arith.constant 0 : i32
          %dma_wait3A_201 = tpu.memref_slice %arg12[%dma_wait3A_200] : memref<655360xf32, #tpu.memory_space<vmem_shared>> -> memref<655360xf32, #tpu.memory_space<vmem_shared>>
          %dma_wait3A_202 = tpu.memref_slice %run_scoped3A_12[%rem3A_189, %dma_wait3A_194] : memref<2x5x!tpu.dma_semaphore, #tpu.memory_space<semaphore_mem>> -> memref<1x1x!tpu.dma_semaphore, #tpu.memory_space<semaphore_mem>>
          %dma_wait3A_203 = tpu.memref_squeeze %dma_wait3A_202 : memref<1x1x!tpu.dma_semaphore, #tpu.memory_space<semaphore_mem>> -> memref<!tpu.dma_semaphore, #tpu.memory_space<semaphore_mem>>
          tpu.wait_indirect_dma semaphore(%dma_wait3A_203 : memref<!tpu.dma_semaphore, #tpu.memory_space<semaphore_mem>>) src(%dma_wait3A_196 : memref<128xf32, #tpu.memory_space<vmem>>) dst(%dma_wait3A_201 : memref<655360xf32, #tpu.memory_space<vmem_shared>>)
          %mul3A_204 = arith.constant 128 : i32
          %mul3A_205 = arith.muli %sub3A_186, %mul3A_204 : i32
          %dma_wait3A_206 = arith.constant 1 : i32
          %dma_wait3A_207 = arith.constant 1 : i32
          %dma_wait3A_208 = arith.constant 1 : i32
          %dma_wait3A_209 = tpu.memref_slice %arg8[%dma_wait3A_206, %mul3A_205] : memref<5x3840xf32, #tpu.memory_space<vmem>> -> memref<1x128xf32, #tpu.memory_space<vmem>>
          %dma_wait3A_210 = tpu.memref_squeeze %dma_wait3A_209 : memref<1x128xf32, #tpu.memory_space<vmem>> -> memref<128xf32, #tpu.memory_space<vmem>>
          %dma_wait3A_211 = arith.constant 0 : i32
          %dma_wait3A_212 = tpu.memref_slice %arg10[%rem3A_189, %dma_wait3A_207, %dma_wait3A_211] : memref<2x5x128xi32, #tpu.memory_space<vmem>> -> memref<1x1x128xi32, #tpu.memory_space<vmem>>
          %dma_wait3A_213 = tpu.memref_squeeze %dma_wait3A_212 : memref<1x1x128xi32, #tpu.memory_space<vmem>> -> memref<128xi32, #tpu.memory_space<vmem>>
          %dma_wait3A_214 = arith.constant 0 : i32
          %dma_wait3A_215 = tpu.memref_slice %arg12[%dma_wait3A_214] : memref<655360xf32, #tpu.memory_space<vmem_shared>> -> memref<655360xf32, #tpu.memory_space<vmem_shared>>
          %dma_wait3A_216 = tpu.memref_slice %run_scoped3A_12[%rem3A_189, %dma_wait3A_208] : memref<2x5x!tpu.dma_semaphore, #tpu.memory_space<semaphore_mem>> -> memref<1x1x!tpu.dma_semaphore, #tpu.memory_space<semaphore_mem>>
          %dma_wait3A_217 = tpu.memref_squeeze %dma_wait3A_216 : memref<1x1x!tpu.dma_semaphore, #tpu.memory_space<semaphore_mem>> -> memref<!tpu.dma_semaphore, #tpu.memory_space<semaphore_mem>>
          tpu.wait_indirect_dma semaphore(%dma_wait3A_217 : memref<!tpu.dma_semaphore, #tpu.memory_space<semaphore_mem>>) src(%dma_wait3A_210 : memref<128xf32, #tpu.memory_space<vmem>>) dst(%dma_wait3A_215 : memref<655360xf32, #tpu.memory_space<vmem_shared>>)
          %mul3A_218 = arith.constant 128 : i32
          %mul3A_219 = arith.muli %sub3A_186, %mul3A_218 : i32
          %dma_wait3A_220 = arith.constant 2 : i32
          %dma_wait3A_221 = arith.constant 2 : i32
          %dma_wait3A_222 = arith.constant 2 : i32
          %dma_wait3A_223 = tpu.memref_slice %arg8[%dma_wait3A_220, %mul3A_219] : memref<5x3840xf32, #tpu.memory_space<vmem>> -> memref<1x128xf32, #tpu.memory_space<vmem>>
          %dma_wait3A_224 = tpu.memref_squeeze %dma_wait3A_223 : memref<1x128xf32, #tpu.memory_space<vmem>> -> memref<128xf32, #tpu.memory_space<vmem>>
          %dma_wait3A_225 = arith.constant 0 : i32
          %dma_wait3A_226 = tpu.memref_slice %arg10[%rem3A_189, %dma_wait3A_221, %dma_wait3A_225] : memref<2x5x128xi32, #tpu.memory_space<vmem>> -> memref<1x1x128xi32, #tpu.memory_space<vmem>>
          %dma_wait3A_227 = tpu.memref_squeeze %dma_wait3A_226 : memref<1x1x128xi32, #tpu.memory_space<vmem>> -> memref<128xi32, #tpu.memory_space<vmem>>
          %dma_wait3A_228 = arith.constant 0 : i32
          %dma_wait3A_229 = tpu.memref_slice %arg12[%dma_wait3A_228] : memref<655360xf32, #tpu.memory_space<vmem_shared>> -> memref<655360xf32, #tpu.memory_space<vmem_shared>>
          %dma_wait3A_230 = tpu.memref_slice %run_scoped3A_12[%rem3A_189, %dma_wait3A_222] : memref<2x5x!tpu.dma_semaphore, #tpu.memory_space<semaphore_mem>> -> memref<1x1x!tpu.dma_semaphore, #tpu.memory_space<semaphore_mem>>
          %dma_wait3A_231 = tpu.memref_squeeze %dma_wait3A_230 : memref<1x1x!tpu.dma_semaphore, #tpu.memory_space<semaphore_mem>> -> memref<!tpu.dma_semaphore, #tpu.memory_space<semaphore_mem>>
          tpu.wait_indirect_dma semaphore(%dma_wait3A_231 : memref<!tpu.dma_semaphore, #tpu.memory_space<semaphore_mem>>) src(%dma_wait3A_224 : memref<128xf32, #tpu.memory_space<vmem>>) dst(%dma_wait3A_229 : memref<655360xf32, #tpu.memory_space<vmem_shared>>)
          %mul3A_232 = arith.constant 128 : i32
          %mul3A_233 = arith.muli %sub3A_186, %mul3A_232 : i32
          %dma_wait3A_234 = arith.constant 3 : i32
          %dma_wait3A_235 = arith.constant 3 : i32
          %dma_wait3A_236 = arith.constant 3 : i32
          %dma_wait3A_237 = tpu.memref_slice %arg8[%dma_wait3A_234, %mul3A_233] : memref<5x3840xf32, #tpu.memory_space<vmem>> -> memref<1x128xf32, #tpu.memory_space<vmem>>
          %dma_wait3A_238 = tpu.memref_squeeze %dma_wait3A_237 : memref<1x128xf32, #tpu.memory_space<vmem>> -> memref<128xf32, #tpu.memory_space<vmem>>
          %dma_wait3A_239 = arith.constant 0 : i32
          %dma_wait3A_240 = tpu.memref_slice %arg10[%rem3A_189, %dma_wait3A_235, %dma_wait3A_239] : memref<2x5x128xi32, #tpu.memory_space<vmem>> -> memref<1x1x128xi32, #tpu.memory_space<vmem>>
          %dma_wait3A_241 = tpu.memref_squeeze %dma_wait3A_240 : memref<1x1x128xi32, #tpu.memory_space<vmem>> -> memref<128xi32, #tpu.memory_space<vmem>>
          %dma_wait3A_242 = arith.constant 0 : i32
          %dma_wait3A_243 = tpu.memref_slice %arg12[%dma_wait3A_242] : memref<655360xf32, #tpu.memory_space<vmem_shared>> -> memref<655360xf32, #tpu.memory_space<vmem_shared>>
          %dma_wait3A_244 = tpu.memref_slice %run_scoped3A_12[%rem3A_189, %dma_wait3A_236] : memref<2x5x!tpu.dma_semaphore, #tpu.memory_space<semaphore_mem>> -> memref<1x1x!tpu.dma_semaphore, #tpu.memory_space<semaphore_mem>>
          %dma_wait3A_245 = tpu.memref_squeeze %dma_wait3A_244 : memref<1x1x!tpu.dma_semaphore, #tpu.memory_space<semaphore_mem>> -> memref<!tpu.dma_semaphore, #tpu.memory_space<semaphore_mem>>
          tpu.wait_indirect_dma semaphore(%dma_wait3A_245 : memref<!tpu.dma_semaphore, #tpu.memory_space<semaphore_mem>>) src(%dma_wait3A_238 : memref<128xf32, #tpu.memory_space<vmem>>) dst(%dma_wait3A_243 : memref<655360xf32, #tpu.memory_space<vmem_shared>>)
          %mul3A_246 = arith.constant 128 : i32
          %mul3A_247 = arith.muli %sub3A_186, %mul3A_246 : i32
          %dma_wait3A_248 = arith.constant 4 : i32
          %dma_wait3A_249 = arith.constant 4 : i32
          %dma_wait3A_250 = arith.constant 4 : i32
          %dma_wait3A_251 = tpu.memref_slice %arg8[%dma_wait3A_248, %mul3A_247] : memref<5x3840xf32, #tpu.memory_space<vmem>> -> memref<1x128xf32, #tpu.memory_space<vmem>>
          %dma_wait3A_252 = tpu.memref_squeeze %dma_wait3A_251 : memref<1x128xf32, #tpu.memory_space<vmem>> -> memref<128xf32, #tpu.memory_space<vmem>>
          %dma_wait3A_253 = arith.constant 0 : i32
          %dma_wait3A_254 = tpu.memref_slice %arg10[%rem3A_189, %dma_wait3A_249, %dma_wait3A_253] : memref<2x5x128xi32, #tpu.memory_space<vmem>> -> memref<1x1x128xi32, #tpu.memory_space<vmem>>
          %dma_wait3A_255 = tpu.memref_squeeze %dma_wait3A_254 : memref<1x1x128xi32, #tpu.memory_space<vmem>> -> memref<128xi32, #tpu.memory_space<vmem>>
          %dma_wait3A_256 = arith.constant 0 : i32
          %dma_wait3A_257 = tpu.memref_slice %arg12[%dma_wait3A_256] : memref<655360xf32, #tpu.memory_space<vmem_shared>> -> memref<655360xf32, #tpu.memory_space<vmem_shared>>
          %dma_wait3A_258 = tpu.memref_slice %run_scoped3A_12[%rem3A_189, %dma_wait3A_250] : memref<2x5x!tpu.dma_semaphore, #tpu.memory_space<semaphore_mem>> -> memref<1x1x!tpu.dma_semaphore, #tpu.memory_space<semaphore_mem>>
          %dma_wait3A_259 = tpu.memref_squeeze %dma_wait3A_258 : memref<1x1x!tpu.dma_semaphore, #tpu.memory_space<semaphore_mem>> -> memref<!tpu.dma_semaphore, #tpu.memory_space<semaphore_mem>>
          tpu.wait_indirect_dma semaphore(%dma_wait3A_259 : memref<!tpu.dma_semaphore, #tpu.memory_space<semaphore_mem>>) src(%dma_wait3A_252 : memref<128xf32, #tpu.memory_space<vmem>>) dst(%dma_wait3A_257 : memref<655360xf32, #tpu.memory_space<vmem_shared>>)
        } else {
        }
      }
      %scan3A_178 = arith.constant 31 : i32
      tpu.yield
    }) : () -> ()
    %barrier3A = arith.constant 0 : index
    tpu.barrier barrier_id(%barrier3A)
    %mul3A_4 = arith.constant 40960 : i32
    %mul3A_5 = arith.muli %arg1, %mul3A_4 : i32
    %mul3A_6 = arith.constant 655360 : i32
    %mul3A_7 = arith.muli %arg0, %mul3A_6 : i32
    %mul3A_8 = arith.constant 40960 : i32
    %mul3A_9 = arith.muli %arg1, %mul3A_8 : i32
    %add3A_10 = arith.addi %mul3A_7, %mul3A_9 : i32
    "tpu.region"() ({
      %run_scoped3A = tpu.sem_alloc : memref<!tpu.dma_semaphore, #tpu.memory_space<semaphore_mem>>
      %dma_start3A = tpu.memref_slice %arg7[%add3A_10] : memref<1310720xf32, #tpu.memory_space<hbm>> -> memref<40960xf32, #tpu.memory_space<hbm>>
      %dma_start3A_11 = tpu.memref_slice %arg12[%mul3A_5] : memref<655360xf32, #tpu.memory_space<vmem_shared>> -> memref<40960xf32, #tpu.memory_space<vmem_shared>>
      tpu.enqueue_dma source(%dma_start3A_11 : memref<40960xf32, #tpu.memory_space<vmem_shared>>) target(%dma_start3A : memref<40960xf32, #tpu.memory_space<hbm>>) target_semaphore(%run_scoped3A : memref<!tpu.dma_semaphore, #tpu.memory_space<semaphore_mem>>)
      %dma_wait3A = tpu.memref_slice %arg7[%add3A_10] : memref<1310720xf32, #tpu.memory_space<hbm>> -> memref<40960xf32, #tpu.memory_space<hbm>>
      %dma_wait3A_12 = tpu.memref_slice %arg12[%mul3A_5] : memref<655360xf32, #tpu.memory_space<vmem_shared>> -> memref<40960xf32, #tpu.memory_space<vmem_shared>>
      tpu.wait_dma2 semaphore(%run_scoped3A : memref<!tpu.dma_semaphore, #tpu.memory_space<semaphore_mem>>) src(%dma_wait3A_12 : memref<40960xf32, #tpu.memory_space<vmem_shared>>) dst(%dma_wait3A : memref<40960xf32, #tpu.memory_space<hbm>>)
      tpu.yield
    }) : () -> ()
    return
  }
}

module attributes {stable_mosaic.version = 14 : i64} {
  func.func @_dense_body(%arg0: i32, %arg1: memref<2x1024x128xf32, #tpu.memory_space<vmem>>, %arg2: memref<128x1536xbf16, #tpu.memory_space<vmem>>, %arg3: memref<1x1536xf32, #tpu.memory_space<vmem>>, %arg4: memref<96x384xf32, #tpu.memory_space<vmem>>, %arg5: memref<1x384xf32, #tpu.memory_space<vmem>>, %arg6: memref<1x384xf32, #tpu.memory_space<vmem>>, %arg7: memref<8x1536xf32, #tpu.memory_space<vmem>>) attributes {dimension_semantics = [#tpu.dimension_semantics<arbitrary>], iteration_bounds = array<i64: 5>, scalar_prefetch = 0 : i64, scratch_operands = 1 : i64, tpu.core_type = #tpu.core_type<tc>, window_params = [{transform_indices = @transform_0, window_bounds = array<i64: 2, 1024, 128>}, {pipeline_mode = #tpu.pipeline_mode<synchronous>, transform_indices = @transform_1, window_bounds = array<i64: 128, 1536>}, {pipeline_mode = #tpu.pipeline_mode<synchronous>, transform_indices = @transform_2, window_bounds = array<i64: 1, 1536>}, {pipeline_mode = #tpu.pipeline_mode<synchronous>, transform_indices = @transform_3, window_bounds = array<i64: 96, 384>}, {pipeline_mode = #tpu.pipeline_mode<synchronous>, transform_indices = @transform_4, window_bounds = array<i64: 1, 384>}, {pipeline_mode = #tpu.pipeline_mode<synchronous>, transform_indices = @transform_5, window_bounds = array<i64: 1, 384>}]} {
    %eq3A = arith.constant 0 : i32
    %eq3A_0 = arith.cmpi eq, %arg0, %eq3A : i32
    %convert_element_type3A = arith.extui %eq3A_0 : i1 to i32
    %cond3A = arith.constant 0 : i32
    %cond3A_1 = arith.cmpi ne, %convert_element_type3A, %cond3A : i32
    scf.if %cond3A_1 {
      %broadcast_in_dim3A_84 = arith.constant 0.000000e+00 : f32
      %broadcast_in_dim3A_85 = vector.broadcast %broadcast_in_dim3A_84 : f32 to vector<8x1536xf32>
      %swap3A_86 = arith.constant 0 : index
      %swap3A_87 = arith.constant 0 : index
      %swap3A_88 = vector.load %arg7[%swap3A_86, %swap3A_87] : memref<8x1536xf32, #tpu.memory_space<vmem>>, vector<8x1536xf32>
      tpu.vector_store %arg7[%swap3A_86, %swap3A_87], %broadcast_in_dim3A_85 {strides = array<i32>} : memref<8x1536xf32, #tpu.memory_space<vmem>>, vector<8x1536xf32>,
    } else {
    }
    %get3A = arith.constant 0 : index
    %get3A_2 = arith.constant 0 : index
    %get3A_3 = arith.constant 0 : index
    %get3A_4 = vector.load %arg1[%get3A, %get3A_2, %get3A_3] : memref<2x1024x128xf32, #tpu.memory_space<vmem>>, vector<1x1024x128xf32>
    %get3A_5 = vector.shape_cast %get3A_4 : vector<1x1024x128xf32> to vector<1024x128xf32>
    %get3A_6 = arith.constant 1 : index
    %get3A_7 = arith.constant 0 : index
    %get3A_8 = arith.constant 0 : index
    %get3A_9 = vector.load %arg1[%get3A_6, %get3A_7, %get3A_8] : memref<2x1024x128xf32, #tpu.memory_space<vmem>>, vector<1x1024x128xf32>
    %get3A_10 = vector.shape_cast %get3A_9 : vector<1x1024x128xf32> to vector<1024x128xf32>
    %add3A = arith.addf %get3A_5, %get3A_10 : vector<1024x128xf32>
    %iota3A = tpu.iota {dimensions = array<i32: 0>} : vector<128x128xi32>
    %iota3A_11 = tpu.iota {dimensions = array<i32: 1>} : vector<128x128xi32>
    %jit3A = arith.constant 8 : i32
    %div3A = vector.broadcast %jit3A : i32 to vector<128x128xi32>
    %div3A_12 = arith.divsi %iota3A_11, %div3A : vector<128x128xi32>
    %sign3A = arith.constant 0 : i32
    %sign3A_13 = vector.broadcast %sign3A : i32 to vector<128x128xi32>
    %sign3A_14 = arith.cmpi sgt, %iota3A_11, %sign3A_13 : vector<128x128xi32>
    %sign3A_15 = arith.extui %sign3A_14 : vector<128x128xi1> to vector<128x128xi32>
    %sign3A_16 = arith.constant 0 : i32
    %sign3A_17 = vector.broadcast %sign3A_16 : i32 to vector<128x128xi32>
    %sign3A_18 = arith.cmpi slt, %iota3A_11, %sign3A_17 : vector<128x128xi32>
    %sign3A_19 = arith.extui %sign3A_18 : vector<128x128xi1> to vector<128x128xi32>
    %sign3A_20 = arith.subi %sign3A_15, %sign3A_19 : vector<128x128xi32>
    %sign3A_21 = arith.constant 0 : i32
    %sign3A_22 = arith.cmpi sgt, %jit3A, %sign3A_21 : i32
    %sign3A_23 = arith.extui %sign3A_22 : i1 to i32
    %sign3A_24 = arith.constant 0 : i32
    %sign3A_25 = arith.cmpi slt, %jit3A, %sign3A_24 : i32
    %sign3A_26 = arith.extui %sign3A_25 : i1 to i32
    %sign3A_27 = arith.subi %sign3A_23, %sign3A_26 : i32
    %ne3A = vector.broadcast %sign3A_27 : i32 to vector<128x128xi32>
    %ne3A_28 = arith.cmpi ne, %sign3A_20, %ne3A : vector<128x128xi32>
    %rem3A = vector.broadcast %jit3A : i32 to vector<128x128xi32>
    %rem3A_29 = arith.remsi %iota3A_11, %rem3A : vector<128x128xi32>
    %ne3A_30 = arith.constant 0 : i32
    %ne3A_31 = vector.broadcast %ne3A_30 : i32 to vector<128x128xi32>
    %ne3A_32 = arith.cmpi ne, %rem3A_29, %ne3A_31 : vector<128x128xi32>
    %and3A = arith.andi %ne3A_28, %ne3A_32 : vector<128x128xi1>
    %sub3A = arith.constant 1 : i32
    %sub3A_33 = vector.broadcast %sub3A : i32 to vector<128x128xi32>
    %sub3A_34 = arith.subi %div3A_12, %sub3A_33 : vector<128x128xi32>
    %select_n3A = arith.select %and3A, %sub3A_34, %div3A_12 : vector<128x128xi1>, vector<128x128xi32>
    %mul3A = arith.constant 8 : i32
    %mul3A_35 = vector.broadcast %mul3A : i32 to vector<128x128xi32>
    %mul3A_36 = arith.muli %mul3A_35, %select_n3A : vector<128x128xi32>
    %add3A_37 = arith.constant 4 : i32
    %add3A_38 = vector.broadcast %add3A_37 : i32 to vector<128x128xi32>
    %add3A_39 = arith.addi %mul3A_36, %add3A_38 : vector<128x128xi32>
    %eq3A_40 = arith.cmpi eq, %iota3A, %add3A_39 : vector<128x128xi32>
    %convert_element_type3A_41 = arith.extui %eq3A_40 : vector<128x128xi1> to vector<128x128xi32>
    %convert_element_type3A_42 = arith.sitofp %convert_element_type3A_41 : vector<128x128xi32> to vector<128x128xf32>
    %dot_general3A = arith.constant dense<0.000000e+00> : vector<1024x128xf32>
    %dot_general3A_43 = tpu.matmul %add3A, %convert_element_type3A_42, %dot_general3A {dimension_numbers = #tpu.dot_dimension_numbers<[1], [0], [0], [1], [0, 0, 1, 1], [], []>, transpose_lhs_hint = false} : vector<1024x128xf32>, vector<128x128xf32>, vector<1024x128xf32> -> vector<1024x128xf32>
    %max3A = arith.constant 1.000000e+00 : f32
    %max3A_44 = vector.broadcast %max3A : f32 to vector<1024x128xf32>
    %max3A_45 = arith.maximumf %dot_general3A_43, %max3A_44 : vector<1024x128xf32>
    %div3A_46 = arith.divf %add3A, %max3A_45 : vector<1024x128xf32>
    %convert_element_type3A_47 = arith.truncf %div3A_46 : vector<1024x128xf32> to vector<1024x128xbf16>
    %get3A_48 = arith.constant 0 : index
    %get3A_49 = arith.constant 0 : index
    %get3A_50 = vector.load %arg2[%get3A_48, %get3A_49] : memref<128x1536xbf16, #tpu.memory_space<vmem>>, vector<128x1536xbf16>
    %dot_general3A_51 = arith.constant dense<0.000000e+00> : vector<1024x1536xf32>
    %dot_general3A_52 = tpu.matmul %convert_element_type3A_47, %get3A_50, %dot_general3A_51 {dimension_numbers = #tpu.dot_dimension_numbers<[1], [0], [0], [1], [0, 0, 1, 1], [], []>, transpose_lhs_hint = false} : vector<1024x128xbf16>, vector<128x1536xbf16>, vector<1024x1536xf32> -> vector<1024x1536xf32>
    %get3A_53 = arith.constant 0 : index
    %get3A_54 = arith.constant 0 : index
    %get3A_55 = vector.load %arg3[%get3A_53, %get3A_54] : memref<1x1536xf32, #tpu.memory_space<vmem>>, vector<1x1536xf32>
    %add3A_56 = vector.broadcast %get3A_55 : vector<1x1536xf32> to vector<1024x1536xf32>
    %add3A_57 = arith.addf %dot_general3A_52, %add3A_56 : vector<1024x1536xf32>
    %max3A_58 = arith.constant 0.000000e+00 : f32
    %max3A_59 = vector.broadcast %max3A_58 : f32 to vector<1024x1536xf32>
    %max3A_60 = arith.maximumf %add3A_57, %max3A_59 : vector<1024x1536xf32>
    %mul3A_61 = arith.constant 1024 : i32
    %mul3A_62 = arith.muli %arg0, %mul3A_61 : i32
    %iota3A_63 = tpu.iota {dimensions = array<i32: 0>} : vector<1024x1xi32>
    %add3A_64 = vector.broadcast %mul3A_62 : i32 to vector<1024x1xi32>
    %add3A_65 = arith.addi %add3A_64, %iota3A_63 : vector<1024x1xi32>
    %lt3A = arith.constant 5000 : i32
    %lt3A_66 = vector.broadcast %lt3A : i32 to vector<1024x1xi32>
    %lt3A_67 = arith.cmpi slt, %add3A_65, %lt3A_66 : vector<1024x1xi32>
    %jit3A_68 = arith.constant 0.000000e+00 : f32
    %broadcast_in_dim3A = vector.shape_cast %lt3A_67 : vector<1024x1xi1> to vector<1024x1xi1>
    %broadcast_in_dim3A_69 = vector.broadcast %broadcast_in_dim3A : vector<1024x1xi1> to vector<1024x1536xi1>
    %broadcast_in_dim3A_70 = vector.broadcast %jit3A_68 : f32 to vector<1024x1536xf32>
    %select_n3A_71 = arith.select %broadcast_in_dim3A_69, %max3A_60, %broadcast_in_dim3A_70 : vector<1024x1536xi1>, vector<1024x1536xf32>
    %get3A_72 = arith.constant 0 : index
    %get3A_73 = arith.constant 0 : index
    %get3A_74 = vector.load %arg7[%get3A_72, %get3A_73] : memref<8x1536xf32, #tpu.memory_space<vmem>>, vector<8x1536xf32>
    %reshape3A = vector.shape_cast %select_n3A_71 : vector<1024x1536xf32> to vector<128x8x1536xf32>
    %reduce_sum3A = arith.constant dense<0.000000e+00> : vector<8x1536xf32>
    %reduce_sum3A_75 = vector.multi_reduction <add>, %reshape3A, %reduce_sum3A [0] : vector<128x8x1536xf32> to vector<8x1536xf32>
    %add3A_76 = arith.addf %get3A_74, %reduce_sum3A_75 : vector<8x1536xf32>
    %swap3A = arith.constant 0 : index
    %swap3A_77 = arith.constant 0 : index
    %swap3A_78 = vector.load %arg7[%swap3A, %swap3A_77] : memref<8x1536xf32, #tpu.memory_space<vmem>>, vector<8x1536xf32>
    tpu.vector_store %arg7[%swap3A, %swap3A_77], %add3A_76 {strides = array<i32>} : memref<8x1536xf32, #tpu.memory_space<vmem>>, vector<8x1536xf32>,
    %eq3A_79 = arith.constant 4 : i32
    %eq3A_80 = arith.cmpi eq, %arg0, %eq3A_79 : i32
    %convert_element_type3A_81 = arith.extui %eq3A_80 : i1 to i32
    %cond3A_82 = arith.constant 0 : i32
    %cond3A_83 = arith.cmpi ne, %convert_element_type3A_81, %cond3A_82 : i32
    scf.if %cond3A_83 {
      %get3A_84 = arith.constant 0 : index
      %get3A_85 = arith.constant 0 : index
      %get3A_86 = vector.load %arg7[%get3A_84, %get3A_85] : memref<8x1536xf32, #tpu.memory_space<vmem>>, vector<8x1536xf32>
      %reduce_sum3A_87 = arith.constant dense<0.000000e+00> : vector<1536xf32>
      %reduce_sum3A_88 = vector.multi_reduction <add>, %get3A_86, %reduce_sum3A_87 [0] : vector<8x1536xf32> to vector<1536xf32>
      %broadcast_in_dim3A_89 = vector.shape_cast %reduce_sum3A_88 : vector<1536xf32> to vector<1x1536xf32>
      %iota3A_90 = tpu.iota {dimensions = array<i32: 0>} : vector<1536x96xi32>
      %iota3A_91 = tpu.iota {dimensions = array<i32: 1>} : vector<1536x96xi32>
      %jit3A_92 = arith.constant 96 : i32
      %eq3A_93 = arith.constant 0 : i32
      %eq3A_94 = arith.cmpi eq, %jit3A_92, %eq3A_93 : i32
      %jit3A_95 = arith.constant 1 : i32
      %select_n3A_96 = arith.select %eq3A_94, %jit3A_95, %jit3A_92 : i32
      %rem3A_97 = vector.broadcast %select_n3A_96 : i32 to vector<1536x96xi32>
      %rem3A_98 = arith.remsi %iota3A_90, %rem3A_97 : vector<1536x96xi32>
      %ne3A_99 = arith.constant 0 : i32
      %ne3A_100 = vector.broadcast %ne3A_99 : i32 to vector<1536x96xi32>
      %ne3A_101 = arith.cmpi ne, %rem3A_98, %ne3A_100 : vector<1536x96xi32>
      %lt3A_102 = arith.constant 0 : i32
      %lt3A_103 = vector.broadcast %lt3A_102 : i32 to vector<1536x96xi32>
      %lt3A_104 = arith.cmpi slt, %rem3A_98, %lt3A_103 : vector<1536x96xi32>
      %lt3A_105 = arith.constant 0 : i32
      %lt3A_106 = arith.cmpi slt, %select_n3A_96, %lt3A_105 : i32
      %ne3A_107 = vector.broadcast %lt3A_106 : i1 to vector<1536x96xi1>
      %ne3A_108 = vector.broadcast %ne3A_107 : vector<1536x96xi1> to vector<1536x96xi1>
      %ne3A_109 = arith.xori %lt3A_104, %ne3A_108 : vector<1536x96xi1>
      %and3A_110 = arith.andi %ne3A_109, %ne3A_101 : vector<1536x96xi1>
      %add3A_111 = vector.broadcast %select_n3A_96 : i32 to vector<1536x96xi32>
      %add3A_112 = arith.addi %rem3A_98, %add3A_111 : vector<1536x96xi32>
      %select_n3A_113 = arith.select %and3A_110, %add3A_112, %rem3A_98 : vector<1536x96xi1>, vector<1536x96xi32>
      %eq3A_114 = arith.cmpi eq, %select_n3A_113, %iota3A_91 : vector<1536x96xi32>
      %convert_element_type3A_115 = arith.extui %eq3A_114 : vector<1536x96xi1> to vector<1536x96xi32>
      %convert_element_type3A_116 = arith.sitofp %convert_element_type3A_115 : vector<1536x96xi32> to vector<1536x96xf32>
      %dot_general3A_117 = arith.constant dense<0.000000e+00> : vector<1x96xf32>
      %dot_general3A_118 = tpu.matmul %broadcast_in_dim3A_89, %convert_element_type3A_116, %dot_general3A_117 {dimension_numbers = #tpu.dot_dimension_numbers<[1], [0], [0], [1], [0, 0, 1, 1], [], []>, transpose_lhs_hint = false} : vector<1x1536xf32>, vector<1536x96xf32>, vector<1x96xf32> -> vector<1x96xf32>
      %get3A_119 = arith.constant 0 : index
      %get3A_120 = arith.constant 0 : index
      %get3A_121 = vector.load %arg4[%get3A_119, %get3A_120] : memref<96x384xf32, #tpu.memory_space<vmem>>, vector<96x384xf32>
      %dot_general3A_122 = arith.constant dense<0.000000e+00> : vector<1x384xf32>
      %dot_general3A_123 = tpu.matmul %dot_general3A_118, %get3A_121, %dot_general3A_122 {dimension_numbers = #tpu.dot_dimension_numbers<[1], [0], [0], [1], [0, 0, 1, 1], [], []>, transpose_lhs_hint = false} : vector<1x96xf32>, vector<96x384xf32>, vector<1x384xf32> -> vector<1x384xf32>
      %mul3A_124 = arith.constant 1.250000e-05 : f32
      %mul3A_125 = vector.broadcast %mul3A_124 : f32 to vector<1x384xf32>
      %mul3A_126 = arith.mulf %dot_general3A_123, %mul3A_125 : vector<1x384xf32>
      %get3A_127 = arith.constant 0 : index
      %get3A_128 = arith.constant 0 : index
      %get3A_129 = vector.load %arg5[%get3A_127, %get3A_128] : memref<1x384xf32, #tpu.memory_space<vmem>>, vector<1x384xf32>
      %add3A_130 = arith.addf %mul3A_126, %get3A_129 : vector<1x384xf32>
      %swap3A_131 = arith.constant 0 : index
      %swap3A_132 = arith.constant 0 : index
      %swap3A_133 = vector.load %arg6[%swap3A_131, %swap3A_132] : memref<1x384xf32, #tpu.memory_space<vmem>>, vector<1x384xf32>
      tpu.vector_store %arg6[%swap3A_131, %swap3A_132], %add3A_130 {strides = array<i32>} : memref<1x384xf32, #tpu.memory_space<vmem>>, vector<1x384xf32>,
    } else {
    }
    return
  }
  func.func @transform_0(%arg0: i32) -> (i32, i32, i32) {
    %c0_i32 = arith.constant 0 : i32
    %c0_i32_0 = arith.constant 0 : i32
    %c0_i32_1 = arith.constant 0 : i32
    return %c0_i32, %arg0, %c0_i32_0 : i32, i32, i32
  }
  func.func @transform_1(%arg0: i32) -> (i32, i32) {
    %c0_i32 = arith.constant 0 : i32
    %c0_i32_0 = arith.constant 0 : i32
    %c0_i32_1 = arith.constant 0 : i32
    return %c0_i32, %c0_i32_0 : i32, i32
  }
  func.func @transform_2(%arg0: i32) -> (i32, i32) {
    %c0_i32 = arith.constant 0 : i32
    %c0_i32_0 = arith.constant 0 : i32
    %c0_i32_1 = arith.constant 0 : i32
    return %c0_i32, %c0_i32_0 : i32, i32
  }
  func.func @transform_3(%arg0: i32) -> (i32, i32) {
    %c0_i32 = arith.constant 0 : i32
    %c0_i32_0 = arith.constant 0 : i32
    %c0_i32_1 = arith.constant 0 : i32
    return %c0_i32, %c0_i32_0 : i32, i32
  }
  func.func @transform_4(%arg0: i32) -> (i32, i32) {
    %c0_i32 = arith.constant 0 : i32
    %c0_i32_0 = arith.constant 0 : i32
    %c0_i32_1 = arith.constant 0 : i32
    return %c0_i32, %c0_i32_0 : i32, i32
  }
  func.func @transform_5(%arg0: i32) -> (i32, i32) {
    %c0_i32 = arith.constant 0 : i32
    %c0_i32_0 = arith.constant 0 : i32
    %c0_i32_1 = arith.constant 0 : i32
    return %c0_i32, %c0_i32_0 : i32, i32
  }
}

</mosaic_0001>

<sc_bundles>
// kernel: kernel.4.cloned.1.call-start
scs
__scs_entry_jumppad:
0x0: {  	(pc) =	sbr.rel $0x88, $3  }
0x1: {  	(tag) =	ssettag $0x0;
	lr =	simm.s32 $0x1  }
0x2: {  	[smem:$0x3F9B] =	sst lr;
	_ =	strace $0xD0000000  }
0x3: {  	_ = 	snop  }
0x4: {  	_ = 	snop  }
0x5: {  	_ = 	snop  }
0x6: {  	_ = 	snop  }
0x7: {  	_ = 	snop  }
__scs_overlays_trampoline_lowered:
0x8: {  	[smem:$0x3FAA] =	sst s0  }
0x9: {  	[smem:$0x3FAB] =	sst s1  }
0xa: {  	[smem:$0x3FAC] =	sst s2  }
0xb: {  	[smem:$0x3FAD] =	sst s3  }
0xc: {  	[smem:$0x3FAE] =	sst s4  }
0xd: {  	[smem:$0x3FAF] =	sst s5  }
0xe: {  	[smem:$0x3FB0] =	sst s6  }
0xf: {  	[smem:$0x3FB1] =	sst s7  }
0x10: {  	[smem:$0x3FB2] =	sst s8  }
0x11: {  	[smem:$0x3FB3] =	sst s9;
	s0 =	simm.s32 @!p0 $0x0  }
0x12: {  	s1 =	sld [smem:$0x3F99];
	s0 =	simm.s32 @p0 $0x1  }
0x13: {  	[smem:$0x3FB4] =	sst s0;
	s0 =	simm.s32 @!p1 $0x0  }
0x14: {  	s2 =	sld [smem:$0x3F98];
	s0 =	simm.s32 @p1 $0x1  }
0x15: {  	[smem:$0x3FB5] =	sst s0;
	s0 =	simm.s32 @!p2 $0x0  }
0x16: {  	s3 =	sld [smem:$0x3FDB];
	s0 =	simm.s32 @p2 $0x1  }
0x17: {  	s4 =	simm.s32 $0x1BF5;
	[smem:$0x3FB7] =	sst s0  }
0x18: {  	s0 =	sld [smem:$0x3F9A];
	_ =	swait.ge [sflag:s4], $0x0  }
0x19: {  	s7 =	sld [smem:$0x3F9B]  }
0x1a: {  	s8 =	sadd.s32 $0xFFFFE003, lr  }
0x1b: {  	s9 =	sadd.s32 $0xFFFFFEF7, lr;
	s5 =	simm.s32 $0xFFFFFFFF;
	p2 =	slt.u32 s8, $0xFFFFF086  }
0x1c: {  	p1 =	slt.u32 s9, $0xF7A;
	s5 =	simm.s32 @!p2 $0x0  }
0x1d: {  	s5 =	simm.s32 @p1 $0x1;
	p0 =	seq.s32 s7, s2  }
0x1e: {  	s7 =	smul.u32 @!p0 $0xF7A, s2;
	p2 =	seq.s32 @!p0 s5, $0x0  }
0x1f: {  	s9 =	smul.u32 $0xF7A, s1;
	s8 =	simm.s32 @!p0 $0x1BF5;
	p2 =	por !p2, p0  }
0x20: {  	[sflag:s8] =	ssyncset.s32 @!p0 $0xFFFFF086;
	s6 =	sadd.s32 @!p0 s3, s7;
	s7 =	simm.s32 @!p0 $0x108  }
0x21: {  	s3 =	sadd.s32 s3, s9;
	s6 =	sadd.s32 @!p0 $0x88, s6;
	s7 =	simm.s32 @p2 $0x1082  }
0x22: {  	[simem:s7], [sflag:s8] =	dma.local @!p0 [hbm:s6], $0xF7A  }
0x23: {  	s9 =	sor.u32 $0xD0000000, s2;
	s6 =	simm.s32 $0x108;
	_ =	swait.ge @!p0 [sflag:s8], $0x0  }
0x24: {  	s3 =	sadd.s32 $0x88, s3;
	s6 =	simm.s32 @!p1 $0x1082;
	[sflag:s4] =	ssyncset.s32 $0xFFFFF086  }
0x25: {  	[simem:s6], [sflag:s4] =	dma.local [hbm:s3], $0xF7A  }
0x26: {  	[smem:$0x3F9B] =	sst s1;
	(tag) =	ssettag s2;
	_ =	strace s9  }
0x27: {  	s1 =	sld [smem:$0x3FAB]  }
0x28: {  	s2 =	sld [smem:$0x3FAC]  }
0x29: {  	s4 =	sld [smem:$0x3FAE]  }
0x2a: {  	p0 =	seq.s32 s5, $0x0;
	s5 =	sld [smem:$0x3FAF]  }
0x2b: {  	s6 =	sld [smem:$0x3FB0]  }
0x2c: {  	s7 =	sld [smem:$0x3FB1]  }
0x2d: {  	s3 =	simm.s32 $0x108;
	s8 =	sld [smem:$0x3FB2]  }
0x2e: {  	s3 =	simm.s32 @!p0 $0x1082;
	s9 =	sld [smem:$0x3FB3]  }
0x2f: {  	lr =	sadd.s32 s0, s3;
	s0 =	sld [smem:$0x3FAA]  }
0x30: {  	s3 =	sld [smem:$0x3FAD]  }
0x31: {  	[smem:$0x3FB6] =	sst s10  }
0x32: {  	s10 =	sld [smem:$0x3FB4];
	_ =	sdelay $0x3  }
0x33: {  	p0 =	seq.s32 s10, $0x1;
	s10 =	sld [smem:$0x3FB6];
	_ =	sdelay $0x3  }
0x34: {  	[smem:$0x3FB6] =	sst s10  }
0x35: {  	s10 =	sld [smem:$0x3FB5];
	_ =	sdelay $0x3  }
0x36: {  	p1 =	seq.s32 s10, $0x1;
	s10 =	sld [smem:$0x3FB6];
	_ =	sdelay $0x3  }
0x37: {  	[smem:$0x3FB6] =	sst s10  }
0x38: {  	s10 =	sld [smem:$0x3FB7]  }
0x39: {  	_ = 	snop;
	(pc) =	sbr.ind lr, $3  }
0x3a: {  	_ = 	snop  }
0x3b: {  	_ = 	snop  }
0x3c: {  	p2 =	seq.s32 s10, $0x1;
	s10 =	sld [smem:$0x3FB6]  }
0x3d: {  	_ =	shalt  }
0x3e: {  	_ =	shalt  }
0x3f: {  	_ =	shalt  }
0x40: {  	_ =	shalt  }
0x41: {  	_ =	shalt  }
0x42: {  	_ =	shalt  }
0x43: {  	_ =	shalt  }
0x44: {  	_ =	shalt  }
0x45: {  	_ =	shalt  }
0x46: {  	_ =	shalt  }
0x47: {  	_ =	shalt  }
0x48: {  	_ =	shalt  }
0x49: {  	_ =	shalt  }
0x4a: {  	_ =	shalt  }
0x4b: {  	_ =	shalt  }
0x4c: {  	_ =	shalt  }
0x4d: {  	_ =	shalt  }
0x4e: {  	_ =	shalt  }
0x4f: {  	_ =	shalt  }
0x50: {  	_ =	shalt  }
0x51: {  	_ =	shalt  }
0x52: {  	_ =	shalt  }
0x53: {  	_ =	shalt  }
0x54: {  	_ =	shalt  }
0x55: {  	_ =	shalt  }
0x56: {  	_ =	shalt  }
0x57: {  	_ =	shalt  }
0x58: {  	_ =	shalt  }
0x59: {  	_ =	shalt  }
0x5a: {  	_ =	shalt  }
0x5b: {  	_ =	shalt  }
0x5c: {  	_ =	shalt  }
0x5d: {  	_ =	shalt  }
0x5e: {  	_ =	shalt  }
0x5f: {  	_ =	shalt  }
0x60: {  	_ =	shalt  }
0x61: {  	_ =	shalt  }
0x62: {  	_ =	shalt  }
0x63: {  	_ =	shalt  }
0x64: {  	_ =	shalt  }
0x65: {  	_ =	shalt  }
0x66: {  	_ =	shalt  }
0x67: {  	_ =	shalt  }
0x68: {  	_ =	shalt  }
0x69: {  	_ =	shalt  }
0x6a: {  	_ =	shalt  }
0x6b: {  	_ =	shalt  }
0x6c: {  	_ =	shalt  }
0x6d: {  	_ =	shalt  }
0x6e: {  	_ =	shalt  }
0x6f: {  	_ =	shalt  }
0x70: {  	_ =	shalt  }
0x71: {  	_ =	shalt  }
0x72: {  	_ =	shalt  }
0x73: {  	_ =	shalt  }
0x74: {  	_ =	shalt  }
0x75: {  	_ =	shalt  }
0x76: {  	_ =	shalt  }
0x77: {  	_ =	shalt  }
0x78: {  	_ =	shalt  }
0x79: {  	_ =	shalt  }
0x7a: {  	_ =	shalt  }
0x7b: {  	_ =	shalt  }
0x7c: {  	_ =	shalt  }
0x7d: {  	_ =	shalt  }
0x7e: {  	_ =	shalt  }
0x7f: {  	_ =	shalt  }
0x80: {  	_ =	shalt  }
0x81: {  	_ =	shalt  }
0x82: {  	_ =	shalt  }
0x83: {  	_ =	shalt  }
0x84: {  	_ =	shalt  }
0x85: {  	_ =	shalt  }
0x86: {  	_ =	shalt  }
0x87: {  	_ =	shalt  }
.Lfunc_end0:
.L_simem_size_0:
called_computation_lowered:
.L_overlay_start_0:
0x88: {  	s2 =	sld [smem:$0x3FD9]  }
0x89: {  	s3 =	sld [smem:$0x3FFE];
	_ =	sdelay $0x1  }
0x8a: {  	s1 =	srdreg.scid  }
0x8b: {  	s0 =	sand.u32 $0x1, s1  }
0x8c: {  	s16 =	sshll.u32 s0, $0xA;
	s2 =	sadd.s32 s3, s2  }
0x8d: {  	s2 =	sadd.s32 s2, s16  }
0x8e: {  	[smem:$0x3FC2] =	sst s2  }
0x8f: {  	_ = 	snop  }
0x90: {  	(tm) =	ssettm $0x1  }
0x91: {  	s17 =	sld [smem:$0x3FFB];
	_ =	sdelay $0x3  }
0x92: {  	_ =	strace s17  }
0x93: {  	s2 =	sld [smem:$0x3FFC];
	_ =	sdelay $0x3  }
0x94: {  	_ =	strace s2  }
0x95: {  	s2 =	sld [smem:$0x3FFD];
	_ =	sdelay $0x3  }
0x96: {  	_ =	strace s2  }
0x97: {  	_ =	strace $0x8FFFFFFF  }
0x98: {  	s18 =	sld [smem:$0x3FDB];
	_ =	sdelay $0x1  }
0x99: {  	s19 =	simm.s32 $_scs_section_size  }
0x9a: {  	s4 =	simm.s32 $_size__tile_overlayer_lowered;
	s5 =	simm.s32 $_tile_overlayer_lowered  }
0x9b: {  	s22 =	simm.s32 $0x1BFF;
	s21 =	sshll.u32 s5, $0x1;
	s2 =	sadd.s32 s19, s18  }
0x9c: {  	s6 =	simm.s32 $0x0;
	s20 =	sshll.u32 s4, $0x1;
	s4 =	sadd.s32 s21, s2  }
0x9d: {  	[timem:s6], [sflag:s22] =	dma.local [hbm:s4], s20  }
0x9e: {  	_ =	swait.ge [sflag:s22], s20  }
0x9f: {  	s3 =	ssub.s32 $0x0, s20;
	[sflag:s22] =	ssyncset.done $0x0  }
0xa0: {  	[sflag:s22] =	ssyncadd.s32 s3;
	_ =	sdelay $0x1  }
0xa1: {  	s23 =	simm.s32 $0x1B8B  }
0xa2: {  	_ =	swait.ge [sflag:s23], $0x1  }
0xa3: {  	[sflag:s23] =	ssyncset.done $0x0  }
0xa4: {  	s25 =	simm.s32 $0x1B8E;
	s24 =	sld [smem:$0x3FFE];
	[sflag:s23] =	ssyncadd.s32 $0xFFFFFFFF  }
0xa5: {  	s26 =	simm.s32 $execute0_lowered;
	[smem:$0x3FD2] =	sst s25  }
0xa6: {  	s4 =	sshll.u32 s26, $0x1;
	_ =	strace $0x80000046;
	[dreg:$0x1] =	wrdreg $0xFFFFFFFF  }
0xa7: {  	s28 =	simm.s32 $_size_execute0_lowered;
	s2 =	sadd.s32 s2, s4;
	[dreg:$0x0] =	wrdreg $0x0  }
0xa8: {  	s4 =	sshll.u32 s28, $0x1;
	[dreg:$0x2] =	wrdreg s2  }
0xa9: {  	[dreg:$0x3] =	wrdreg s4  }
0xaa: {  	[dreg:$0x4] =	wrdreg $0xC0  }
0xab: {  	_ =	task [dreg:s6], $0x5FFFF  }
0xac: {  	[dreg:$0x1] =	wrdreg $0xFFFFFFFF  }
0xad: {  	[dreg:$0x0] =	wrdreg $0x60  }
0xae: {  	[dreg:$0x2] =	wrdreg s24  }
0xaf: {  	[dreg:$0x3] =	wrdreg $0x73000  }
0xb0: {  	[dreg:$0x4] =	wrdreg $0x9  }
0xb1: {  	_ =	task.clear_ibuf [dreg:s6], $0x5FFFF;
	_ =	strace $0x90000046  }
0xb2: {  	s29 =	simm.s32 $0x9;
	_ =	strace $0x80000048  }
0xb3: {  	_ =	swait.ge [sflag:s29], $0x1  }
0xb4: {  	[sflag:s29] =	ssyncadd.s32 $0xFFFFFFFF  }
0xb5: {  	_ =	strace $0x90000048  }
0xb6: {  	_ =	sfence  }
0xb7: {  	s30 =	sld [smem:$0x0];
	_ =	sdelay $0x2  }
0xb8: {  	s31 =	sshll.u32 s1, $0xD;
	s1 =	sshrl.u32 s1, $0x2  }
0xb9: {  	s3 =	sand.u32 $0x4000, s31;
	s1 =	sadd.s32 s1, s30  }
0xba: {  	s0 =	sor.u32 s3, s0;
	s1 =	sshll.u32 s1, $0x11  }
0xbb: {  	s0 =	sor.u32 s1, s0  }
0xbc: {  	s0 =	sadd.s32 $0x8F2B, s0  }
0xbd: {  	[sflag:s0] =	ssyncadd.remote.s32 $0x1  }
0xbe: {  	_ =	sfence.sel $0xFFFF  }
0xbf: {  	[dreg:$0x0] =	wrdreg $0xFFFFFFFF;
	(pc) =	sbr.abs _section_cstart, $3  }
0xc0: {  	[dreg:$0x1] =	wrdreg $0xFFFFFFFF  }
0xc1: {  	_ =	task.clear_ibuf [dreg:s6], $0x2FFFF;
	_ =	strace $0x9FFFFFFF  }
0xc2: {  	(tm) =	ssettm $0x7FFFFFFF  }
0xc3: {  	_ =	shalt  }
tec
execute0_lowered:
.L_overlay_start_1:
0x0: {  	(tag) =	ssettag $0x1  }
0x1: {  	s1 =	srdreg.scid;
	s4 =	rddreg [dreg:$0x0]  }
0x2: {  	s0 =	stileid.u32;
	s2 =	rddreg [dreg:$0x1]  }
0x3: {  	s3 =	simm.s32 $0x0;
	s23 =	simm.s32 $0x5F00;
	s24 =	simm.s32 $0x2  }
0x4: {  	s25 =	simm.s32 $0x1;
	s26 =	simm.s32 $0x0;
	s1 =	sand.u32 $0x1, s1  }
0x5: {  	s8 =	smul.u32 $0xA000, s0;
	[smem:$0x7FF] =	sst s3;
	s5 =	sshll.u32 s1, $0x4  }
0x6: {  	s6 =	smul.u32 $0xA0000, s1;
	s1 =	ssub.s32 $0x2, s1;
	s5 =	sor.u32 s0, s5  }
0x7: {  	_ =	strace $0x80000047;
	s31 =	sshrl.u32 s1, $0x1;
	s5 =	smul.u32 $0x1E0, s5  }
0x8: {  	s6 =	sadd.s32 s8, s6;
	s1 =	ssub.s32 s1, s31;
	s8 =	sadd.s32 s8, s2  }
0x9: {  	s6 =	sshrl.u32 s6, $0x3;
	s10 =	sadd.s32 $0x1400, s8;
	s11 =	sadd.s32 $0x2800, s8  }
.Ltmp0:
0xa: {  	s12 =	sadd.s32 $0x3C00, s8;
	s13 =	sadd.s32 $0x5000, s8;
	(pc) =	sbr.rel .LBB2_1-.Ltmp0, $4  }
0xb: {  	s14 =	sadd.s32 $0x6400, s8;
	s15 =	sadd.s32 $0x7800, s8;
	s16 =	sadd.s32 $0x8C00, s8  }
0xc: {  	s18 =	smax.u32 s1, $0x1;
	s9 =	sadd.s32 s5, s4;
	s17 =	sadd.s32 s6, s4  }
0xd: {  	s4 =	sadd.s32 $0xC200, s9;
	s5 =	sadd.s32 $0x4A00, s9;
	s6 =	sadd.s32 $0x8600, s9  }
0xe: {  	v0 =	vimm.f32 $0.0e+00;
	v1 =	vimm.f32 $1.000000000e+00;
	s7 =	sadd.s32 $0xE00, s9;
	s9 =	sadd.s32 $0xFE00, s9;
	s17 =	sadd.s32 $0x13A00, s17  }
.LBB2_9:
0xf: {  	s0 =	stileid.u32;
	s26 =	sadd.s32 $0x1, s26  }
0x10: {  	[bflag:$0x0] =	sbarrier.arrive $0xFFFF;
	s0 =	sshll.u32 s0, $0x6;
	p0 =	sne.s32 s26, s18  }
.Ltmp1:
0x11: {  	s1 =	sshrl.u32 s8, $0x3;
	s0 =	sor.u32 $0x1C01, s0;
	(pc) =	sbr.rel @!p0 .LBB2_10-.Ltmp1, $4  }
0x12: {  	[hbm:s17], [sflag:s0] =	dma.local [spmem:s1], $0x1400  }
0x13: {  	_ =	swait.ge [sflag:s25], $0x1400  }
0x14: {  	[sflag:s25] =	ssyncset.done $0x0  }
0x15: {  	[sflag:s25] =	ssyncadd.s32 $0xFFFFEC00  }
.LBB2_1:
0x16: {  	[tilespmem:s3], [sflag:$0x1] =	stream.linear.gather [hbm4b:s4+s3], $0xF00, $0x38;
	[tilespmem:$0x11300] =	vst v63  }
0x17: {  	s0 =	simm.s32 $0xF00  }
0x18: {  	[tilespmem:s0], [sflag:$0x1] =	stream.linear.gather [hbm4b:s5+s3], $0xF00, $0x38;
	[tilespmem:$0x11300] =	vst v63  }
0x19: {  	s29 =	simm.s32 $0x1E00  }
0x1a: {  	[tilespmem:s29], [sflag:$0x1] =	stream.linear.gather [hbm4b:s6+s3], $0xF00, $0x38;
	[tilespmem:$0x11300] =	vst v63  }
0x1b: {  	s30 =	simm.s32 $0x2D00  }
0x1c: {  	[tilespmem:s30], [sflag:$0x1] =	stream.linear.gather [hbm4b:s7+s3], $0xF00, $0x38;
	[tilespmem:$0x11300] =	vst v63  }
0x1d: {  	s31 =	simm.s32 $0x4B00;
	s1 =	simm.s32 $0x0  }
0x1e: {  	[tilespmem:s31], [sflag:$0x1] =	stream.linear.gather [hbm4b:s9+s3], $0xF00, $0x38;
	[tilespmem:$0x11300] =	vst v63  }
.LBB2_2:
0x1f: {  	p0 =	sne.s32 s1, $0x4FC0  }
.Ltmp2:
0x20: {  	_ = 	snop;
	(pc) =	sbr.rel @p0 .LBB2_2-.Ltmp2, $3  }
0x21: {  	_ =	sdelay $0x1  }
0x22: {  	s28 =	sshra.s32 s1, $0x2  }
0x23: {  	s1 =	sadd.s32 $0x40, s1;
	[tilespmem:s28+$0x5F00] =	vst v0  }
0x24: {  	s1 =	simm.s32 $0x40;
	s28 =	simm.s32 $0x0  }
.LBB2_4:
0x25: {  	p0 =	sne.s32 s1, $0x3BC0;
	[tilespmem:s28+$0x3C00] =	vst v1;
	s28 =	smov.u32 s1;
	s1 =	sadd.s32 $0x40, s1  }
.Ltmp3:
0x26: {  	(pc) =	sbr.rel @p0 .LBB2_4-.Ltmp3, $2  }
0x27: {  	_ =	sdelay $0x2  }
0x28: {  	s28 =	sshra.s32 s28, $0x2  }
0x29: {  	[tilespmem:s28+$0x3C00] =	vst v1  }
0x2a: {  	[spmem:s8] =	stream.linear.scatter [tilespmem:s23], [sflag:$0x2], $0x1400, $0x38;
	[tilespmem:$0x11300] =	vst v63  }
0x2b: {  	_ = 	snop  }
0x2c: {  	[spmem:s10] =	stream.linear.scatter [tilespmem:s23], [sflag:$0x2], $0x1400, $0x38;
	[tilespmem:$0x11300] =	vst v63  }
0x2d: {  	_ = 	snop  }
0x2e: {  	[spmem:s11] =	stream.linear.scatter [tilespmem:s23], [sflag:$0x2], $0x1400, $0x38;
	[tilespmem:$0x11300] =	vst v63  }
0x2f: {  	_ = 	snop  }
0x30: {  	[spmem:s12] =	stream.linear.scatter [tilespmem:s23], [sflag:$0x2], $0x1400, $0x38;
	[tilespmem:$0x11300] =	vst v63  }
0x31: {  	_ = 	snop  }
0x32: {  	[spmem:s13] =	stream.linear.scatter [tilespmem:s23], [sflag:$0x2], $0x1400, $0x38;
	[tilespmem:$0x11300] =	vst v63  }
0x33: {  	_ = 	snop  }
0x34: {  	[spmem:s14] =	stream.linear.scatter [tilespmem:s23], [sflag:$0x2], $0x1400, $0x38;
	[tilespmem:$0x11300] =	vst v63  }
0x35: {  	_ = 	snop  }
0x36: {  	[spmem:s15] =	stream.linear.scatter [tilespmem:s23], [sflag:$0x2], $0x1400, $0x38;
	[tilespmem:$0x11300] =	vst v63  }
0x37: {  	_ = 	snop  }
0x38: {  	[spmem:s16] =	stream.linear.scatter [tilespmem:s23], [sflag:$0x2], $0x1400, $0x38;
	[tilespmem:$0x11300] =	vst v63  }
0x39: {  	_ =	swait.ge [sflag:s24], $0x1400  }
0x3a: {  	[sflag:s24] =	ssyncset.done $0x0  }
0x3b: {  	[sflag:s24] =	ssyncadd.s32 $0xFFFFEC00  }
0x3c: {  	_ =	swait.ge [sflag:s24], $0x1400  }
0x3d: {  	[sflag:s24] =	ssyncset.done $0x0  }
0x3e: {  	[sflag:s24] =	ssyncadd.s32 $0xFFFFEC00  }
0x3f: {  	_ =	swait.ge [sflag:s24], $0x1400  }
0x40: {  	[sflag:s24] =	ssyncset.done $0x0  }
0x41: {  	[sflag:s24] =	ssyncadd.s32 $0xFFFFEC00  }
0x42: {  	_ =	swait.ge [sflag:s24], $0x1400  }
0x43: {  	[sflag:s24] =	ssyncset.done $0x0  }
0x44: {  	[sflag:s24] =	ssyncadd.s32 $0xFFFFEC00  }
0x45: {  	_ =	swait.ge [sflag:s24], $0x1400  }
0x46: {  	[sflag:s24] =	ssyncset.done $0x0  }
0x47: {  	[sflag:s24] =	ssyncadd.s32 $0xFFFFEC00  }
0x48: {  	_ =	swait.ge [sflag:s24], $0x1400  }
0x49: {  	[sflag:s24] =	ssyncset.done $0x0  }
0x4a: {  	[sflag:s24] =	ssyncadd.s32 $0xFFFFEC00  }
0x4b: {  	_ =	swait.ge [sflag:s24], $0x1400  }
0x4c: {  	[sflag:s24] =	ssyncset.done $0x0  }
0x4d: {  	[sflag:s24] =	ssyncadd.s32 $0xFFFFEC00  }
0x4e: {  	_ =	swait.ge [sflag:s24], $0x1400  }
0x4f: {  	[sflag:s24] =	ssyncset.done $0x0  }
0x50: {  	[sflag:s24] =	ssyncadd.s32 $0xFFFFEC00  }
0x51: {  	_ =	swait.ge [sflag:s25], $0xF00  }
0x52: {  	[sflag:s25] =	ssyncset.done $0x0  }
0x53: {  	[sflag:s25] =	ssyncadd.s32 $0xFFFFF100  }
0x54: {  	_ =	swait.ge [sflag:s25], $0xF00  }
0x55: {  	[sflag:s25] =	ssyncset.done $0x0  }
0x56: {  	[sflag:s25] =	ssyncadd.s32 $0xFFFFF100  }
0x57: {  	_ =	swait.ge [sflag:s25], $0xF00  }
0x58: {  	[sflag:s25] =	ssyncset.done $0x0  }
0x59: {  	[sflag:s25] =	ssyncadd.s32 $0xFFFFF100  }
0x5a: {  	_ =	swait.ge [sflag:s25], $0xF00  }
0x5b: {  	[sflag:s25] =	ssyncset.done $0x0  }
0x5c: {  	[sflag:s25] =	ssyncadd.s32 $0xFFFFF100  }
.Ltmp4:
0x5d: {  	_ =	swait.ge [sflag:s25], $0xF00;
	(pc) =	sbr.rel .LBB2_6-.Ltmp4, $4  }
0x5e: {  	[sflag:s25] =	ssyncset.done $0x0  }
0x5f: {  	[sflag:s25] =	ssyncadd.s32 $0xFFFFF100  }
0x60: {  	[bflag:$0x0] =	sbarrier.arrive $0xFFFF  }
0x61: {  	s28 =	simm.s32 $0x0;
	s29 =	simm.s32 $0x0  }
.LBB2_8:
0x62: {  	s28 =	sadd.s32 $0x200, s28  }
0x63: {  	p0 =	sne.s32 s28, $0x3E00  }
.Ltmp5:
0x64: {  	_ = 	snop;
	(pc) =	sbr.rel @!p0 .LBB2_9-.Ltmp5, $2  }
0x65: {  	_ =	sdelay $0x2  }
0x66: {  	s29 =	sadd.s32 $0x1, s29  }
.LBB2_6:
0x67: {  	p0 =	seq.s32 s28, $0x3C00  }
0x68: {  	s31 =	sshra.s32 @!p0 s28, $0x2  }
0x69: {  	v2 =	vld @!p0 [tilespmem:s31+$0x4B00];
	_ =	sdelay $0x1  }
0x6a: {  	s30 =	sand.u32 @!p0 $0x1, s29  }
0x6b: {  	s1 =	smul.u32 @!p0 $0xA00, s30;
	_ =	sdelay $0x1  }
0x6c: {  	s1 =	sshrl.u32 @!p0 s1, $0x2;
	v2 =	vshll.u32 @!p0 v2, $0x3  }
0x6d: {  	[tilespmem:s1+$0x5A00] =	vst @!p0 v2;
	v3 =	vor.u32 @!p0 $0x1, v2  }
0x6e: {  	[tilespmem:s1+$0x5A80] =	vst @!p0 v3;
	v3 =	vor.u32 @!p0 $0x2, v2  }
0x6f: {  	[tilespmem:s1+$0x5B00] =	vst @!p0 v3;
	v3 =	vor.u32 @!p0 $0x3, v2  }
0x70: {  	v2 =	vor.u32 @!p0 $0x4, v2;
	[tilespmem:s1+$0x5B80] =	vst @!p0 v3  }
0x71: {  	[tilespmem:s1+$0x5C00] =	vst @!p0 v2  }
0x72: {  	v2 =	vld @!p0 [tilespmem:s31+$0x4B10];
	_ =	sdelay $0x4  }
0x73: {  	v2 =	vshll.u32 @!p0 v2, $0x3  }
0x74: {  	[tilespmem:s1+$0x5A10] =	vst @!p0 v2;
	v3 =	vor.u32 @!p0 $0x1, v2  }
0x75: {  	[tilespmem:s1+$0x5A90] =	vst @!p0 v3;
	v3 =	vor.u32 @!p0 $0x2, v2  }
0x76: {  	[tilespmem:s1+$0x5B10] =	vst @!p0 v3;
	v3 =	vor.u32 @!p0 $0x3, v2  }
0x77: {  	v2 =	vor.u32 @!p0 $0x4, v2;
	[tilespmem:s1+$0x5B90] =	vst @!p0 v3  }
0x78: {  	[tilespmem:s1+$0x5C10] =	vst @!p0 v2  }
0x79: {  	v2 =	vld @!p0 [tilespmem:s31+$0x4B20];
	_ =	sdelay $0x4  }
0x7a: {  	v2 =	vshll.u32 @!p0 v2, $0x3  }
0x7b: {  	[tilespmem:s1+$0x5A20] =	vst @!p0 v2;
	v3 =	vor.u32 @!p0 $0x1, v2  }
0x7c: {  	[tilespmem:s1+$0x5AA0] =	vst @!p0 v3;
	v3 =	vor.u32 @!p0 $0x2, v2  }
0x7d: {  	[tilespmem:s1+$0x5B20] =	vst @!p0 v3;
	v3 =	vor.u32 @!p0 $0x3, v2  }
0x7e: {  	v2 =	vor.u32 @!p0 $0x4, v2;
	[tilespmem:s1+$0x5BA0] =	vst @!p0 v3  }
0x7f: {  	[tilespmem:s1+$0x5C20] =	vst @!p0 v2  }
0x80: {  	v2 =	vld @!p0 [tilespmem:s31+$0x4B30];
	_ =	sdelay $0x4  }
0x81: {  	v2 =	vshll.u32 @!p0 v2, $0x3  }
0x82: {  	[tilespmem:s1+$0x5A30] =	vst @!p0 v2;
	v3 =	vor.u32 @!p0 $0x1, v2  }
0x83: {  	[tilespmem:s1+$0x5AB0] =	vst @!p0 v3;
	v3 =	vor.u32 @!p0 $0x2, v2  }
0x84: {  	[tilespmem:s1+$0x5B30] =	vst @!p0 v3;
	v3 =	vor.u32 @!p0 $0x3, v2  }
0x85: {  	v2 =	vor.u32 @!p0 $0x4, v2;
	[tilespmem:s1+$0x5BB0] =	vst @!p0 v3  }
0x86: {  	[tilespmem:s1+$0x5C30] =	vst @!p0 v2  }
0x87: {  	v2 =	vld @!p0 [tilespmem:s31+$0x4B40];
	_ =	sdelay $0x4  }
0x88: {  	v2 =	vshll.u32 @!p0 v2, $0x3  }
0x89: {  	[tilespmem:s1+$0x5A40] =	vst @!p0 v2;
	v3 =	vor.u32 @!p0 $0x1, v2  }
0x8a: {  	[tilespmem:s1+$0x5AC0] =	vst @!p0 v3;
	v3 =	vor.u32 @!p0 $0x2, v2  }
0x8b: {  	[tilespmem:s1+$0x5B40] =	vst @!p0 v3;
	v3 =	vor.u32 @!p0 $0x3, v2  }
0x8c: {  	v2 =	vor.u32 @!p0 $0x4, v2;
	[tilespmem:s1+$0x5BC0] =	vst @!p0 v3  }
0x8d: {  	[tilespmem:s1+$0x5C40] =	vst @!p0 v2  }
0x8e: {  	v2 =	vld @!p0 [tilespmem:s31+$0x4B50];
	_ =	sdelay $0x4  }
0x8f: {  	v2 =	vshll.u32 @!p0 v2, $0x3  }
0x90: {  	[tilespmem:s1+$0x5A50] =	vst @!p0 v2;
	v3 =	vor.u32 @!p0 $0x1, v2  }
0x91: {  	[tilespmem:s1+$0x5AD0] =	vst @!p0 v3;
	v3 =	vor.u32 @!p0 $0x2, v2  }
0x92: {  	[tilespmem:s1+$0x5B50] =	vst @!p0 v3;
	v3 =	vor.u32 @!p0 $0x3, v2  }
0x93: {  	v2 =	vor.u32 @!p0 $0x4, v2;
	[tilespmem:s1+$0x5BD0] =	vst @!p0 v3  }
0x94: {  	[tilespmem:s1+$0x5C50] =	vst @!p0 v2  }
0x95: {  	v2 =	vld @!p0 [tilespmem:s31+$0x4B60];
	_ =	sdelay $0x4  }
0x96: {  	v2 =	vshll.u32 @!p0 v2, $0x3  }
0x97: {  	[tilespmem:s1+$0x5A60] =	vst @!p0 v2;
	v3 =	vor.u32 @!p0 $0x1, v2  }
0x98: {  	[tilespmem:s1+$0x5AE0] =	vst @!p0 v3;
	v3 =	vor.u32 @!p0 $0x2, v2  }
0x99: {  	[tilespmem:s1+$0x5B60] =	vst @!p0 v3;
	v3 =	vor.u32 @!p0 $0x3, v2  }
0x9a: {  	v2 =	vor.u32 @!p0 $0x4, v2;
	[tilespmem:s1+$0x5BE0] =	vst @!p0 v3  }
0x9b: {  	[tilespmem:s1+$0x5C60] =	vst @!p0 v2  }
0x9c: {  	v2 =	vld @!p0 [tilespmem:s31+$0x4B70];
	_ =	sdelay $0x4  }
0x9d: {  	v2 =	vshll.u32 @!p0 v2, $0x3  }
0x9e: {  	[tilespmem:s1+$0x5A70] =	vst @!p0 v2;
	v3 =	vor.u32 @!p0 $0x1, v2  }
0x9f: {  	s0 =	smul.u32 @!p0 $0x14, s30;
	[tilespmem:s1+$0x5AF0] =	vst @!p0 v3;
	v3 =	vor.u32 @!p0 $0x2, v2  }
0xa0: {  	[tilespmem:s1+$0x5B70] =	vst @!p0 v3;
	v3 =	vor.u32 @!p0 $0x3, v2  }
0xa1: {  	s21 =	simm.s32 @!p0 $0x80;
	p1 =	seq.s32 @!p0 s28, $0x0;
	s0 =	sshrl.u32 @!p0 s0, $0x2;
	v2 =	vor.u32 @!p0 $0x4, v2;
	[tilespmem:s1+$0x5BF0] =	vst @!p0 v3  }
0xa2: {  	p1 =	por p0, !p1;
	s19 =	sadd.s32 @!p0 $0x5A00, s1;
	s20 =	sadd.s32 @!p0 $0x3, s0;
	[tilespmem:s1+$0x5C70] =	vst @!p0 v2  }
0xa3: {  	[spmem:s2] =	stream.indirect.scatter.add.f32 @!p0 [tilespmem:s31], [sflag:s20], $0x1, s19, s21, $0xb8;
	[tilespmem:$0x11300] =	vst v63  }
0xa4: {  	s22 =	sadd.s32 @!p0 $0x4, s0;
	s19 =	sadd.s32 @!p0 $0x5A80, s1;
	s20 =	sadd.s32 @!p0 $0xF00, s31  }
0xa5: {  	[spmem:s2] =	stream.indirect.scatter.add.f32 @!p0 [tilespmem:s20], [sflag:s22], $0x1, s19, s21, $0xb8;
	[tilespmem:$0x11300] =	vst v63  }
0xa6: {  	s19 =	sadd.s32 @!p0 $0x5B00, s1;
	s20 =	sadd.s32 @!p0 $0x1E00, s31;
	s22 =	sadd.s32 @!p0 $0x5, s0  }
0xa7: {  	[spmem:s2] =	stream.indirect.scatter.add.f32 @!p0 [tilespmem:s20], [sflag:s22], $0x1, s19, s21, $0xb8;
	[tilespmem:$0x11300] =	vst v63  }
.Ltmp6:
0xa8: {  	_ = 	snop;
	(pc) =	sbr.rel @!p1 .LBB2_8-.Ltmp6, $4  }
0xa9: {  	s19 =	sadd.s32 @!p0 $0x5B80, s1;
	s20 =	sadd.s32 @!p0 $0x2D00, s31;
	s22 =	sadd.s32 @!p0 $0x6, s0  }
0xaa: {  	[spmem:s2] =	stream.indirect.scatter.add.f32 @!p0 [tilespmem:s20], [sflag:s22], $0x1, s19, s21, $0xb8;
	[tilespmem:$0x11300] =	vst v63  }
0xab: {  	s1 =	sor.u32 @!p0 $0x5C00, s1;
	s0 =	sadd.s32 @!p0 $0x7, s0;
	s19 =	sadd.s32 @!p0 $0x3C00, s31  }
0xac: {  	[spmem:s2] =	stream.indirect.scatter.add.f32 @!p0 [tilespmem:s19], [sflag:s0], $0x1, s1, s21, $0xb8;
	[tilespmem:$0x11300] =	vst v63  }
0xad: {  	s30 =	simm.s32 @p0 $0x0  }
0xae: {  	s0 =	sxor.u32 $0x1, s30  }
0xaf: {  	s0 =	smul.u32 $0x14, s0;
	_ =	sdelay $0x1  }
0xb0: {  	s0 =	sshrl.u32 s0, $0x2  }
0xb1: {  	s1 =	sadd.s32 $0x3, s0  }
0xb2: {  	_ =	swait.ge [sflag:s1], $0x80  }
0xb3: {  	[sflag:s1] =	ssyncset.done $0x0  }
0xb4: {  	s22 =	sadd.s32 $0x4, s0;
	[sflag:s1] =	ssyncadd.s32 $0xFFFFFF80  }
0xb5: {  	_ =	swait.ge [sflag:s22], $0x80  }
0xb6: {  	[sflag:s22] =	ssyncset.done $0x0  }
0xb7: {  	s30 =	sadd.s32 $0x5, s0;
	[sflag:s22] =	ssyncadd.s32 $0xFFFFFF80  }
0xb8: {  	_ =	swait.ge [sflag:s30], $0x80  }
0xb9: {  	[sflag:s30] =	ssyncset.done $0x0  }
0xba: {  	s31 =	sadd.s32 $0x6, s0;
	[sflag:s30] =	ssyncadd.s32 $0xFFFFFF80  }
0xbb: {  	_ =	swait.ge [sflag:s31], $0x80  }
.Ltmp7:
0xbc: {  	[sflag:s31] =	ssyncset.done $0x0;
	(pc) =	sbr.rel .LBB2_8-.Ltmp7, $4  }
0xbd: {  	s0 =	sadd.s32 $0x7, s0;
	[sflag:s31] =	ssyncadd.s32 $0xFFFFFF80  }
0xbe: {  	_ =	swait.ge [sflag:s0], $0x80  }
0xbf: {  	[sflag:s0] =	ssyncset.done $0x0  }
0xc0: {  	[sflag:s0] =	ssyncadd.s32 $0xFFFFFF80  }
.LBB2_10:
0xc1: {  	_ =	sfence.sel $0x180000  }
0xc2: {  	[bflag:$0x0] =	sbarrier.arrive $0xFFFF  }
0xc3: {  	_ =	strace $0x90000047  }
0xc4: {  	s0 =	stileid.u32;
	[bflag:$0x2] =	sbarrier.arrive $0xFFFF  }
0xc5: {  	p0 =	sne.s32 s0, $0x0;
	s0 =	rddreg [dreg:$0x2]  }
0xc6: {  	s0 =	sadd.s32 @!p0 $0x100000, s0  }
0xc7: {  	[sflag:s0] =	ssyncadd.tile.s32 @!p0 $0x1;
	_ =	shalt  }
.Lfunc_end2:
_tile_overlayer_lowered:
.L_overlay_start_2:
0xc8: {  	(tag) =	ssettag $0x2  }
0xc9: {  	s0 =	rddreg [dreg:$0x0];
	s2 =	stileid.u32  }
0xca: {  	s1 =	rddreg [dreg:$0x1];
	p0 =	sne.s32 s2, $0x0  }
0xcb: {  	s3 =	rddreg [dreg:$0x2];
	[bflag:$0x3] =	sbarrier.arrive $0xFFFF;
	s2 =	simm.s32 @!p0 $0x1C01  }
0xcc: {  	[timem:s3], [sflag:s2] =	dma.local @!p0 [hbm:s0], s1  }
0xcd: {  	s0 =	simm.s32 @!p0 $0x1  }
0xce: {  	_ =	swait.ge @!p0 [sflag:s0], s1  }
0xcf: {  	s1 =	ssub.s32 @!p0 $0x0, s1;
	[sflag:s0] =	ssyncset.done @!p0 $0x0  }
0xd0: {  	[sflag:s0] =	ssyncadd.s32 @!p0 s1  }
0xd1: {  	[bflag:$0x3] =	sbarrier.arrive $0xFFFF  }
0xd2: {  	_ =	shalt  }

</sc_bundles>
